<compile_context>
chip_gen: v7x
topology: tpu7x:2x2x1
jax: 0.10.2.dev20260603
libtpu: 0.0.44.dev20260713+nightly
codegen_flags: <defaults>
</compile_context>

<pallas_src>
import functools

import jax
import jax.numpy as jnp
from jax import lax
from jax.experimental import pallas as pl
from jax.experimental.pallas import tpu as pltpu
from jax.experimental.pallas import tpu_sc as plsc

_NF = 16
_H = 1489
_W = 2048
_B = 128
_HLEN = 256
_WLEN = 256
_HOFF = 500
_WOFF = 700

_RA = _HOFF - _HOFF % 8
_CA = _WOFF - _WOFF % 128
_RSPAN = 264
_CSPAN = 384


def _crop_body(slab_ref, out_ref):
    out_ref[0] = slab_ref[
        0, 0, pl.ds(_HOFF - _RA, _HLEN), pl.ds(_WOFF - _CA, _WLEN)
    ]


def _crop(background):
    slab = lax.slice(
        background,
        (0, 0, _RA, _CA),
        (_NF, 1, _RA + _RSPAN, _CA + _CSPAN),
    )
    return pl.pallas_call(
        _crop_body,
        grid=(_NF,),
        in_specs=[pl.BlockSpec((1, 1, _RSPAN, _CSPAN), lambda i: (i, 0, 0, 0))],
        out_specs=pl.BlockSpec((1, _HLEN, _WLEN), lambda i: (i, 0, 0)),
        out_shape=jax.ShapeDtypeStruct((_NF, _HLEN, _WLEN), jnp.float32),
    )(slab)


_CH = 64
_NSLOT = 6
_CPT = _HLEN // _CH


def _sc_gather(table, rcf_indices):
    nc, ns = 2, 16
    nw = nc * ns
    bpw = _B // nw

    mesh = plsc.VectorSubcoreMesh(core_axis_name="c", subcore_axis_name="s")

    @functools.partial(
        pl.kernel,
        out_type=jax.ShapeDtypeStruct((_B, 1, _HLEN, _WLEN), jnp.float32),
        mesh=mesh,
        compiler_params=pltpu.CompilerParams(needs_layout_passes=False),
        scratch_types=[
            pltpu.VMEM((_B,), jnp.int32),
            pltpu.VMEM((_NSLOT, _CH, _WLEN), jnp.float32),
        ]
        + [pltpu.SemaphoreType.DMA] * (2 * _NSLOT),
    )
    def k(tab, idx, out, idx_v, bufs, *sems):
        wid = lax.axis_index("s") * nc + lax.axis_index("c")
        pltpu.sync_copy(idx, idx_v)
        in_sems = sems[:_NSLOT]
        out_sems = sems[_NSLOT:]
        nchunks = bpw * _CPT
        fvals = []
        for jj in range(bpw):
            b = wid * bpw + jj
            fvec = plsc.load_gather(idx_v, [jnp.full((16,), b, jnp.int32)])
            fvals.append(fvec[0])
        pending_in = [None] * _NSLOT
        pending_out = [None] * _NSLOT
        for j in range(nchunks + 1):
            if j < nchunks:
                jj, h = j // _CPT, j % _CPT
                s = j % _NSLOT
                if pending_out[s] is not None:
                    pending_out[s].wait()
                pending_in[s] = pltpu.async_copy(
                    tab.at[fvals[jj], pl.ds(h * _CH, _CH), :],
                    bufs.at[s],
                    in_sems[s],
                )
            if j >= 1:
                jp, s2 = j - 1, (j - 1) % _NSLOT
                jjp, hp = jp // _CPT, jp % _CPT
                bp = wid * bpw + jjp
                pending_in[s2].wait()
                pending_out[s2] = pltpu.async_copy(
                    bufs.at[s2],
                    out.at[bp, 0, pl.ds(hp * _CH, _CH), :],
                    out_sems[s2],
                )
        for s in range(_NSLOT):
            if pending_out[s] is not None:
                pending_out[s].wait()

    return k(table, rcf_indices)


def kernel(background, rcf_indices):
    return _sc_gather(_crop(background), rcf_indices)

# --- scband reference (transcript-rebuilt; emitter-appended) ---
"""Pipeline reference for scband-simulated-sdssbackground-7954279432912 (READ-ONLY COPY).

The authoritative reference and input builder live on the scoring server;
editing this copy changes nothing except your own understanding.
"""

import jax, jax.numpy as jnp
import numpy as np

N_FIELDS = 16
C = 1
H = 1489
W = 2048
B = 128
HLEN = 256
WLEN = 256
# np.random.randint equivalents, fixed for determinism (h < H-HLEN, w < W-WLEN)
H_OFF = 500
W_OFF = 700


def setup_inputs(seed: int = 0) -> dict:
    key = jax.random.key(seed)
    k1, k2 = jax.random.split(key)
    # buffer registered in __init__ (stacked SDSS field backgrounds)
    background = jax.random.normal(k1, (N_FIELDS, C, H, W), dtype=jnp.float32)
    rcf_indices = jax.random.randint(k2, (B,), 0, N_FIELDS, dtype=jnp.int32)
    return {"background": background, "rcf_indices": rcf_indices}


def reference(background, rcf_indices):
    # sample(shape=(B, C, HLEN, WLEN), rcf_indices):
    #   return background[rcf_indices, :, h:h+hlen, w:w+wlen]
    # Crop-then-gather is mathematically identical to gather-then-crop
    # (avoids materializing the full gathered fields).
    cropped = jax.lax.dynamic_slice(
        background, (0, 0, H_OFF, W_OFF), (N_FIELDS, C, HLEN, WLEN)
    )
    out = jnp.take(cropped, rcf_indices, axis=0)
    return out

if __name__ == "__main__":
    import jax
    _d = setup_inputs()
    print(jax.jit(kernel)(*tuple(_d.values())))

</pallas_src>

<mosaic_0001>
#map = affine_map<(d0, d1) -> (0, 0, 0)>
#map1 = affine_map<(d0, d1) -> (0)>
#map2 = affine_map<(d0, d1) -> (0, 0, 0, 0)>
module attributes {stable_mosaic.version = 14 : i64} {
  func.func @k(%arg0: i32, %arg1: i32, %arg2: memref<16x256x256xf32, #tpu.memory_space<hbm>>, %arg3: memref<128xi32, #tpu.memory_space<hbm>>, %arg4: memref<128x1x256x256xf32, #tpu.memory_space<hbm>>, %arg5: memref<128xi32, #tpu.memory_space<vmem>>, %arg6: memref<6x64x256xf32, #tpu.memory_space<vmem>>, %arg7: memref<!tpu.dma_semaphore, #tpu.memory_space<semaphore_mem>>, %arg8: memref<!tpu.dma_semaphore, #tpu.memory_space<semaphore_mem>>, %arg9: memref<!tpu.dma_semaphore, #tpu.memory_space<semaphore_mem>>, %arg10: memref<!tpu.dma_semaphore, #tpu.memory_space<semaphore_mem>>, %arg11: memref<!tpu.dma_semaphore, #tpu.memory_space<semaphore_mem>>, %arg12: memref<!tpu.dma_semaphore, #tpu.memory_space<semaphore_mem>>, %arg13: memref<!tpu.dma_semaphore, #tpu.memory_space<semaphore_mem>>, %arg14: memref<!tpu.dma_semaphore, #tpu.memory_space<semaphore_mem>>, %arg15: memref<!tpu.dma_semaphore, #tpu.memory_space<semaphore_mem>>, %arg16: memref<!tpu.dma_semaphore, #tpu.memory_space<semaphore_mem>>, %arg17: memref<!tpu.dma_semaphore, #tpu.memory_space<semaphore_mem>>, %arg18: memref<!tpu.dma_semaphore, #tpu.memory_space<semaphore_mem>>) attributes {dimension_semantics = [#tpu.dimension_semantics<core_parallel>, #tpu.dimension_semantics<subcore_parallel>], iteration_bounds = array<i64: 2, 16>, scalar_prefetch = 0 : i64, scratch_operands = 14 : i64, tpu.core_type = #tpu.core_type<sc_vector_subcore>, window_params = [{transform_indices = #map}, {transform_indices = #map1}, {transform_indices = #map2}]} {
    %mul3A = arith.constant 2 : i32
    %mul3A_0 = arith.muli %arg1, %mul3A : i32
    %add3A = arith.addi %mul3A_0, %arg0 : i32
    "tpu.region"() ({
      %run_scoped3A = tpu.sem_alloc : memref<!tpu.dma_semaphore, #tpu.memory_space<semaphore_mem>>
      tpu.enqueue_dma source(%arg3 : memref<128xi32, #tpu.memory_space<hbm>>) target(%arg5 : memref<128xi32, #tpu.memory_space<vmem>>) target_semaphore(%run_scoped3A : memref<!tpu.dma_semaphore, #tpu.memory_space<semaphore_mem>>)
      tpu.wait_dma2 semaphore(%run_scoped3A : memref<!tpu.dma_semaphore, #tpu.memory_space<semaphore_mem>>) src(%arg3 : memref<128xi32, #tpu.memory_space<hbm>>) dst(%arg5 : memref<128xi32, #tpu.memory_space<vmem>>)
      tpu.yield
    }) : () -> ()
    %mul3A_1 = arith.constant 4 : i32
    %mul3A_2 = arith.muli %add3A, %mul3A_1 : i32
    %add3A_3 = arith.constant 0 : i32
    %add3A_4 = arith.addi %mul3A_2, %add3A_3 : i32
    %broadcast_in_dim3A = vector.broadcast %add3A_4 : i32 to vector<16xi32>
    %gather3A = tpu.vector_load_idx %arg5[%broadcast_in_dim3A] : memref<128xi32, #tpu.memory_space<vmem>>[vector<16xi32>], vector<16xi32>,
    %slice3A = vector.extract_strided_slice %gather3A {offsets = [0], sizes = [1], strides = [1]} : vector<16xi32> to vector<1xi32>
    %squeeze3A = vector.extract %slice3A[0] : i32 from vector<1xi32>
    %mul3A_5 = arith.constant 4 : i32
    %mul3A_6 = arith.muli %add3A, %mul3A_5 : i32
    %add3A_7 = arith.constant 1 : i32
    %add3A_8 = arith.addi %mul3A_6, %add3A_7 : i32
    %broadcast_in_dim3A_9 = vector.broadcast %add3A_8 : i32 to vector<16xi32>
    %gather3A_10 = tpu.vector_load_idx %arg5[%broadcast_in_dim3A_9] : memref<128xi32, #tpu.memory_space<vmem>>[vector<16xi32>], vector<16xi32>,
    %slice3A_11 = vector.extract_strided_slice %gather3A_10 {offsets = [0], sizes = [1], strides = [1]} : vector<16xi32> to vector<1xi32>
    %squeeze3A_12 = vector.extract %slice3A_11[0] : i32 from vector<1xi32>
    %mul3A_13 = arith.constant 4 : i32
    %mul3A_14 = arith.muli %add3A, %mul3A_13 : i32
    %add3A_15 = arith.constant 2 : i32
    %add3A_16 = arith.addi %mul3A_14, %add3A_15 : i32
    %broadcast_in_dim3A_17 = vector.broadcast %add3A_16 : i32 to vector<16xi32>
    %gather3A_18 = tpu.vector_load_idx %arg5[%broadcast_in_dim3A_17] : memref<128xi32, #tpu.memory_space<vmem>>[vector<16xi32>], vector<16xi32>,
    %slice3A_19 = vector.extract_strided_slice %gather3A_18 {offsets = [0], sizes = [1], strides = [1]} : vector<16xi32> to vector<1xi32>
    %squeeze3A_20 = vector.extract %slice3A_19[0] : i32 from vector<1xi32>
    %mul3A_21 = arith.constant 4 : i32
    %mul3A_22 = arith.muli %add3A, %mul3A_21 : i32
    %add3A_23 = arith.constant 3 : i32
    %add3A_24 = arith.addi %mul3A_22, %add3A_23 : i32
    %broadcast_in_dim3A_25 = vector.broadcast %add3A_24 : i32 to vector<16xi32>
    %gather3A_26 = tpu.vector_load_idx %arg5[%broadcast_in_dim3A_25] : memref<128xi32, #tpu.memory_space<vmem>>[vector<16xi32>], vector<16xi32>,
    %slice3A_27 = vector.extract_strided_slice %gather3A_26 {offsets = [0], sizes = [1], strides = [1]} : vector<16xi32> to vector<1xi32>
    %squeeze3A_28 = vector.extract %slice3A_27[0] : i32 from vector<1xi32>
    %dma_start3A = arith.constant 0 : i32
    %dma_start3A_29 = arith.constant 0 : i32
    %dma_start3A_30 = arith.constant 0 : i32
    %dma_start3A_31 = tpu.memref_slice %arg6[%dma_start3A, %dma_start3A_29, %dma_start3A_30] : memref<6x64x256xf32, #tpu.memory_space<vmem>> -> memref<1x64x256xf32, #tpu.memory_space<vmem>>
    %dma_start3A_32 = tpu.memref_squeeze %dma_start3A_31 : memref<1x64x256xf32, #tpu.memory_space<vmem>> -> memref<64x256xf32, #tpu.memory_space<vmem>>
    %dma_start3A_33 = arith.constant 0 : i32
    %dma_start3A_34 = arith.constant 0 : i32
    %dma_start3A_35 = tpu.memref_slice %arg2[%squeeze3A, %dma_start3A_33, %dma_start3A_34] : memref<16x256x256xf32, #tpu.memory_space<hbm>> -> memref<1x64x256xf32, #tpu.memory_space<hbm>>
    %dma_start3A_36 = tpu.memref_squeeze %dma_start3A_35 : memref<1x64x256xf32, #tpu.memory_space<hbm>> -> memref<64x256xf32, #tpu.memory_space<hbm>>
    %dma_start3A_37 = arith.constant 0 : i32
    %dma_start3A_38 = arith.constant 0 : i32
    %dma_start3A_39 = tpu.memref_slice %arg6[%dma_start3A, %dma_start3A_37, %dma_start3A_38] : memref<6x64x256xf32, #tpu.memory_space<vmem>> -> memref<1x64x256xf32, #tpu.memory_space<vmem>>
    %dma_start3A_40 = tpu.memref_squeeze %dma_start3A_39 : memref<1x64x256xf32, #tpu.memory_space<vmem>> -> memref<64x256xf32, #tpu.memory_space<vmem>>
    %dma_start3A_41 = arith.constant 0 : i32
    %dma_start3A_42 = arith.constant 0 : i32
    %dma_start3A_43 = tpu.memref_slice %arg2[%squeeze3A, %dma_start3A_41, %dma_start3A_42] : memref<16x256x256xf32, #tpu.memory_space<hbm>> -> memref<1x64x256xf32, #tpu.memory_space<hbm>>
    %dma_start3A_44 = tpu.memref_squeeze %dma_start3A_43 : memref<1x64x256xf32, #tpu.memory_space<hbm>> -> memref<64x256xf32, #tpu.memory_space<hbm>>
    tpu.enqueue_dma source(%dma_start3A_44 : memref<64x256xf32, #tpu.memory_space<hbm>>) target(%dma_start3A_40 : memref<64x256xf32, #tpu.memory_space<vmem>>) target_semaphore(%arg7 : memref<!tpu.dma_semaphore, #tpu.memory_space<semaphore_mem>>)
    %dma_start3A_45 = arith.constant 1 : i32
    %dma_start3A_46 = arith.constant 0 : i32
    %dma_start3A_47 = arith.constant 0 : i32
    %dma_start3A_48 = tpu.memref_slice %arg6[%dma_start3A_45, %dma_start3A_46, %dma_start3A_47] : memref<6x64x256xf32, #tpu.memory_space<vmem>> -> memref<1x64x256xf32, #tpu.memory_space<vmem>>
    %dma_start3A_49 = tpu.memref_squeeze %dma_start3A_48 : memref<1x64x256xf32, #tpu.memory_space<vmem>> -> memref<64x256xf32, #tpu.memory_space<vmem>>
    %dma_start3A_50 = arith.constant 64 : i32
    %dma_start3A_51 = arith.constant 0 : i32
    %dma_start3A_52 = tpu.memref_slice %arg2[%squeeze3A, %dma_start3A_50, %dma_start3A_51] : memref<16x256x256xf32, #tpu.memory_space<hbm>> -> memref<1x64x256xf32, #tpu.memory_space<hbm>>
    %dma_start3A_53 = tpu.memref_squeeze %dma_start3A_52 : memref<1x64x256xf32, #tpu.memory_space<hbm>> -> memref<64x256xf32, #tpu.memory_space<hbm>>
    %dma_start3A_54 = arith.constant 0 : i32
    %dma_start3A_55 = arith.constant 0 : i32
    %dma_start3A_56 = tpu.memref_slice %arg6[%dma_start3A_45, %dma_start3A_54, %dma_start3A_55] : memref<6x64x256xf32, #tpu.memory_space<vmem>> -> memref<1x64x256xf32, #tpu.memory_space<vmem>>
    %dma_start3A_57 = tpu.memref_squeeze %dma_start3A_56 : memref<1x64x256xf32, #tpu.memory_space<vmem>> -> memref<64x256xf32, #tpu.memory_space<vmem>>
    %dma_start3A_58 = arith.constant 64 : i32
    %dma_start3A_59 = arith.constant 0 : i32
    %dma_start3A_60 = tpu.memref_slice %arg2[%squeeze3A, %dma_start3A_58, %dma_start3A_59] : memref<16x256x256xf32, #tpu.memory_space<hbm>> -> memref<1x64x256xf32, #tpu.memory_space<hbm>>
    %dma_start3A_61 = tpu.memref_squeeze %dma_start3A_60 : memref<1x64x256xf32, #tpu.memory_space<hbm>> -> memref<64x256xf32, #tpu.memory_space<hbm>>
    tpu.enqueue_dma source(%dma_start3A_61 : memref<64x256xf32, #tpu.memory_space<hbm>>) target(%dma_start3A_57 : memref<64x256xf32, #tpu.memory_space<vmem>>) target_semaphore(%arg8 : memref<!tpu.dma_semaphore, #tpu.memory_space<semaphore_mem>>)
    %mul3A_62 = arith.constant 4 : i32
    %mul3A_63 = arith.muli %add3A, %mul3A_62 : i32
    %add3A_64 = arith.constant 0 : i32
    %add3A_65 = arith.addi %mul3A_63, %add3A_64 : i32
    %dma_wait3A = arith.constant 0 : i32
    %dma_wait3A_66 = arith.constant 0 : i32
    %dma_wait3A_67 = arith.constant 0 : i32
    %dma_wait3A_68 = tpu.memref_slice %arg6[%dma_wait3A, %dma_wait3A_66, %dma_wait3A_67] : memref<6x64x256xf32, #tpu.memory_space<vmem>> -> memref<1x64x256xf32, #tpu.memory_space<vmem>>
    %dma_wait3A_69 = tpu.memref_squeeze %dma_wait3A_68 : memref<1x64x256xf32, #tpu.memory_space<vmem>> -> memref<64x256xf32, #tpu.memory_space<vmem>>
    %dma_wait3A_70 = arith.constant 0 : i32
    %dma_wait3A_71 = arith.constant 0 : i32
    %dma_wait3A_72 = tpu.memref_slice %arg2[%squeeze3A, %dma_wait3A_70, %dma_wait3A_71] : memref<16x256x256xf32, #tpu.memory_space<hbm>> -> memref<1x64x256xf32, #tpu.memory_space<hbm>>
    %dma_wait3A_73 = tpu.memref_squeeze %dma_wait3A_72 : memref<1x64x256xf32, #tpu.memory_space<hbm>> -> memref<64x256xf32, #tpu.memory_space<hbm>>
    %dma_wait3A_74 = arith.constant 0 : i32
    %dma_wait3A_75 = arith.constant 0 : i32
    %dma_wait3A_76 = tpu.memref_slice %arg6[%dma_wait3A, %dma_wait3A_74, %dma_wait3A_75] : memref<6x64x256xf32, #tpu.memory_space<vmem>> -> memref<1x64x256xf32, #tpu.memory_space<vmem>>
    %dma_wait3A_77 = tpu.memref_squeeze %dma_wait3A_76 : memref<1x64x256xf32, #tpu.memory_space<vmem>> -> memref<64x256xf32, #tpu.memory_space<vmem>>
    %dma_wait3A_78 = arith.constant 0 : i32
    %dma_wait3A_79 = arith.constant 0 : i32
    %dma_wait3A_80 = tpu.memref_slice %arg2[%squeeze3A, %dma_wait3A_78, %dma_wait3A_79] : memref<16x256x256xf32, #tpu.memory_space<hbm>> -> memref<1x64x256xf32, #tpu.memory_space<hbm>>
    %dma_wait3A_81 = tpu.memref_squeeze %dma_wait3A_80 : memref<1x64x256xf32, #tpu.memory_space<hbm>> -> memref<64x256xf32, #tpu.memory_space<hbm>>
    tpu.wait_dma2 semaphore(%arg7 : memref<!tpu.dma_semaphore, #tpu.memory_space<semaphore_mem>>) src(%dma_wait3A_81 : memref<64x256xf32, #tpu.memory_space<hbm>>) dst(%dma_wait3A_77 : memref<64x256xf32, #tpu.memory_space<vmem>>)
    %dma_start3A_82 = arith.constant 0 : i32
    %dma_start3A_83 = arith.constant 0 : i32
    %dma_start3A_84 = arith.constant 0 : i32
    %dma_start3A_85 = arith.constant 0 : i32
    %dma_start3A_86 = tpu.memref_slice %arg6[%dma_start3A_82, %dma_start3A_84, %dma_start3A_85] : memref<6x64x256xf32, #tpu.memory_space<vmem>> -> memref<1x64x256xf32, #tpu.memory_space<vmem>>
    %dma_start3A_87 = tpu.memref_squeeze %dma_start3A_86 : memref<1x64x256xf32, #tpu.memory_space<vmem>> -> memref<64x256xf32, #tpu.memory_space<vmem>>
    %dma_start3A_88 = arith.constant 0 : i32
    %dma_start3A_89 = arith.constant 0 : i32
    %dma_start3A_90 = tpu.memref_slice %arg4[%add3A_65, %dma_start3A_83, %dma_start3A_88, %dma_start3A_89] : memref<128x1x256x256xf32, #tpu.memory_space<hbm>> -> memref<1x1x64x256xf32, #tpu.memory_space<hbm>>
    %dma_start3A_91 = tpu.memref_squeeze %dma_start3A_90 : memref<1x1x64x256xf32, #tpu.memory_space<hbm>> -> memref<64x256xf32, #tpu.memory_space<hbm>>
    %dma_start3A_92 = arith.constant 0 : i32
    %dma_start3A_93 = arith.constant 0 : i32
    %dma_start3A_94 = tpu.memref_slice %arg4[%add3A_65, %dma_start3A_83, %dma_start3A_92, %dma_start3A_93] : memref<128x1x256x256xf32, #tpu.memory_space<hbm>> -> memref<1x1x64x256xf32, #tpu.memory_space<hbm>>
    %dma_start3A_95 = tpu.memref_squeeze %dma_start3A_94 : memref<1x1x64x256xf32, #tpu.memory_space<hbm>> -> memref<64x256xf32, #tpu.memory_space<hbm>>
    %dma_start3A_96 = arith.constant 0 : i32
    %dma_start3A_97 = arith.constant 0 : i32
    %dma_start3A_98 = tpu.memref_slice %arg6[%dma_start3A_82, %dma_start3A_96, %dma_start3A_97] : memref<6x64x256xf32, #tpu.memory_space<vmem>> -> memref<1x64x256xf32, #tpu.memory_space<vmem>>
    %dma_start3A_99 = tpu.memref_squeeze %dma_start3A_98 : memref<1x64x256xf32, #tpu.memory_space<vmem>> -> memref<64x256xf32, #tpu.memory_space<vmem>>
    tpu.enqueue_dma source(%dma_start3A_99 : memref<64x256xf32, #tpu.memory_space<vmem>>) target(%dma_start3A_95 : memref<64x256xf32, #tpu.memory_space<hbm>>) target_semaphore(%arg13 : memref<!tpu.dma_semaphore, #tpu.memory_space<semaphore_mem>>)
    %dma_start3A_100 = arith.constant 2 : i32
    %dma_start3A_101 = arith.constant 0 : i32
    %dma_start3A_102 = arith.constant 0 : i32
    %dma_start3A_103 = tpu.memref_slice %arg6[%dma_start3A_100, %dma_start3A_101, %dma_start3A_102] : memref<6x64x256xf32, #tpu.memory_space<vmem>> -> memref<1x64x256xf32, #tpu.memory_space<vmem>>
    %dma_start3A_104 = tpu.memref_squeeze %dma_start3A_103 : memref<1x64x256xf32, #tpu.memory_space<vmem>> -> memref<64x256xf32, #tpu.memory_space<vmem>>
    %dma_start3A_105 = arith.constant 128 : i32
    %dma_start3A_106 = arith.constant 0 : i32
    %dma_start3A_107 = tpu.memref_slice %arg2[%squeeze3A, %dma_start3A_105, %dma_start3A_106] : memref<16x256x256xf32, #tpu.memory_space<hbm>> -> memref<1x64x256xf32, #tpu.memory_space<hbm>>
    %dma_start3A_108 = tpu.memref_squeeze %dma_start3A_107 : memref<1x64x256xf32, #tpu.memory_space<hbm>> -> memref<64x256xf32, #tpu.memory_space<hbm>>
    %dma_start3A_109 = arith.constant 0 : i32
    %dma_start3A_110 = arith.constant 0 : i32
    %dma_start3A_111 = tpu.memref_slice %arg6[%dma_start3A_100, %dma_start3A_109, %dma_start3A_110] : memref<6x64x256xf32, #tpu.memory_space<vmem>> -> memref<1x64x256xf32, #tpu.memory_space<vmem>>
    %dma_start3A_112 = tpu.memref_squeeze %dma_start3A_111 : memref<1x64x256xf32, #tpu.memory_space<vmem>> -> memref<64x256xf32, #tpu.memory_space<vmem>>
    %dma_start3A_113 = arith.constant 128 : i32
    %dma_start3A_114 = arith.constant 0 : i32
    %dma_start3A_115 = tpu.memref_slice %arg2[%squeeze3A, %dma_start3A_113, %dma_start3A_114] : memref<16x256x256xf32, #tpu.memory_space<hbm>> -> memref<1x64x256xf32, #tpu.memory_space<hbm>>
    %dma_start3A_116 = tpu.memref_squeeze %dma_start3A_115 : memref<1x64x256xf32, #tpu.memory_space<hbm>> -> memref<64x256xf32, #tpu.memory_space<hbm>>
    tpu.enqueue_dma source(%dma_start3A_116 : memref<64x256xf32, #tpu.memory_space<hbm>>) target(%dma_start3A_112 : memref<64x256xf32, #tpu.memory_space<vmem>>) target_semaphore(%arg9 : memref<!tpu.dma_semaphore, #tpu.memory_space<semaphore_mem>>)
    %mul3A_117 = arith.constant 4 : i32
    %mul3A_118 = arith.muli %add3A, %mul3A_117 : i32
    %add3A_119 = arith.constant 0 : i32
    %add3A_120 = arith.addi %mul3A_118, %add3A_119 : i32
    %dma_wait3A_121 = arith.constant 1 : i32
    %dma_wait3A_122 = arith.constant 0 : i32
    %dma_wait3A_123 = arith.constant 0 : i32
    %dma_wait3A_124 = tpu.memref_slice %arg6[%dma_wait3A_121, %dma_wait3A_122, %dma_wait3A_123] : memref<6x64x256xf32, #tpu.memory_space<vmem>> -> memref<1x64x256xf32, #tpu.memory_space<vmem>>
    %dma_wait3A_125 = tpu.memref_squeeze %dma_wait3A_124 : memref<1x64x256xf32, #tpu.memory_space<vmem>> -> memref<64x256xf32, #tpu.memory_space<vmem>>
    %dma_wait3A_126 = arith.constant 64 : i32
    %dma_wait3A_127 = arith.constant 0 : i32
    %dma_wait3A_128 = tpu.memref_slice %arg2[%squeeze3A, %dma_wait3A_126, %dma_wait3A_127] : memref<16x256x256xf32, #tpu.memory_space<hbm>> -> memref<1x64x256xf32, #tpu.memory_space<hbm>>
    %dma_wait3A_129 = tpu.memref_squeeze %dma_wait3A_128 : memref<1x64x256xf32, #tpu.memory_space<hbm>> -> memref<64x256xf32, #tpu.memory_space<hbm>>
    %dma_wait3A_130 = arith.constant 0 : i32
    %dma_wait3A_131 = arith.constant 0 : i32
    %dma_wait3A_132 = tpu.memref_slice %arg6[%dma_wait3A_121, %dma_wait3A_130, %dma_wait3A_131] : memref<6x64x256xf32, #tpu.memory_space<vmem>> -> memref<1x64x256xf32, #tpu.memory_space<vmem>>
    %dma_wait3A_133 = tpu.memref_squeeze %dma_wait3A_132 : memref<1x64x256xf32, #tpu.memory_space<vmem>> -> memref<64x256xf32, #tpu.memory_space<vmem>>
    %dma_wait3A_134 = arith.constant 64 : i32
    %dma_wait3A_135 = arith.constant 0 : i32
    %dma_wait3A_136 = tpu.memref_slice %arg2[%squeeze3A, %dma_wait3A_134, %dma_wait3A_135] : memref<16x256x256xf32, #tpu.memory_space<hbm>> -> memref<1x64x256xf32, #tpu.memory_space<hbm>>
    %dma_wait3A_137 = tpu.memref_squeeze %dma_wait3A_136 : memref<1x64x256xf32, #tpu.memory_space<hbm>> -> memref<64x256xf32, #tpu.memory_space<hbm>>
    tpu.wait_dma2 semaphore(%arg8 : memref<!tpu.dma_semaphore, #tpu.memory_space<semaphore_mem>>) src(%dma_wait3A_137 : memref<64x256xf32, #tpu.memory_space<hbm>>) dst(%dma_wait3A_133 : memref<64x256xf32, #tpu.memory_space<vmem>>)
    %dma_start3A_138 = arith.constant 1 : i32
    %dma_start3A_139 = arith.constant 0 : i32
    %dma_start3A_140 = arith.constant 0 : i32
    %dma_start3A_141 = arith.constant 0 : i32
    %dma_start3A_142 = tpu.memref_slice %arg6[%dma_start3A_138, %dma_start3A_140, %dma_start3A_141] : memref<6x64x256xf32, #tpu.memory_space<vmem>> -> memref<1x64x256xf32, #tpu.memory_space<vmem>>
    %dma_start3A_143 = tpu.memref_squeeze %dma_start3A_142 : memref<1x64x256xf32, #tpu.memory_space<vmem>> -> memref<64x256xf32, #tpu.memory_space<vmem>>
    %dma_start3A_144 = arith.constant 64 : i32
    %dma_start3A_145 = arith.constant 0 : i32
    %dma_start3A_146 = tpu.memref_slice %arg4[%add3A_120, %dma_start3A_139, %dma_start3A_144, %dma_start3A_145] : memref<128x1x256x256xf32, #tpu.memory_space<hbm>> -> memref<1x1x64x256xf32, #tpu.memory_space<hbm>>
    %dma_start3A_147 = tpu.memref_squeeze %dma_start3A_146 : memref<1x1x64x256xf32, #tpu.memory_space<hbm>> -> memref<64x256xf32, #tpu.memory_space<hbm>>
    %dma_start3A_148 = arith.constant 64 : i32
    %dma_start3A_149 = arith.constant 0 : i32
    %dma_start3A_150 = tpu.memref_slice %arg4[%add3A_120, %dma_start3A_139, %dma_start3A_148, %dma_start3A_149] : memref<128x1x256x256xf32, #tpu.memory_space<hbm>> -> memref<1x1x64x256xf32, #tpu.memory_space<hbm>>
    %dma_start3A_151 = tpu.memref_squeeze %dma_start3A_150 : memref<1x1x64x256xf32, #tpu.memory_space<hbm>> -> memref<64x256xf32, #tpu.memory_space<hbm>>
    %dma_start3A_152 = arith.constant 0 : i32
    %dma_start3A_153 = arith.constant 0 : i32
    %dma_start3A_154 = tpu.memref_slice %arg6[%dma_start3A_138, %dma_start3A_152, %dma_start3A_153] : memref<6x64x256xf32, #tpu.memory_space<vmem>> -> memref<1x64x256xf32, #tpu.memory_space<vmem>>
    %dma_start3A_155 = tpu.memref_squeeze %dma_start3A_154 : memref<1x64x256xf32, #tpu.memory_space<vmem>> -> memref<64x256xf32, #tpu.memory_space<vmem>>
    tpu.enqueue_dma source(%dma_start3A_155 : memref<64x256xf32, #tpu.memory_space<vmem>>) target(%dma_start3A_151 : memref<64x256xf32, #tpu.memory_space<hbm>>) target_semaphore(%arg14 : memref<!tpu.dma_semaphore, #tpu.memory_space<semaphore_mem>>)
    %dma_start3A_156 = arith.constant 3 : i32
    %dma_start3A_157 = arith.constant 0 : i32
    %dma_start3A_158 = arith.constant 0 : i32
    %dma_start3A_159 = tpu.memref_slice %arg6[%dma_start3A_156, %dma_start3A_157, %dma_start3A_158] : memref<6x64x256xf32, #tpu.memory_space<vmem>> -> memref<1x64x256xf32, #tpu.memory_space<vmem>>
    %dma_start3A_160 = tpu.memref_squeeze %dma_start3A_159 : memref<1x64x256xf32, #tpu.memory_space<vmem>> -> memref<64x256xf32, #tpu.memory_space<vmem>>
    %dma_start3A_161 = arith.constant 192 : i32
    %dma_start3A_162 = arith.constant 0 : i32
    %dma_start3A_163 = tpu.memref_slice %arg2[%squeeze3A, %dma_start3A_161, %dma_start3A_162] : memref<16x256x256xf32, #tpu.memory_space<hbm>> -> memref<1x64x256xf32, #tpu.memory_space<hbm>>
    %dma_start3A_164 = tpu.memref_squeeze %dma_start3A_163 : memref<1x64x256xf32, #tpu.memory_space<hbm>> -> memref<64x256xf32, #tpu.memory_space<hbm>>
    %dma_start3A_165 = arith.constant 0 : i32
    %dma_start3A_166 = arith.constant 0 : i32
    %dma_start3A_167 = tpu.memref_slice %arg6[%dma_start3A_156, %dma_start3A_165, %dma_start3A_166] : memref<6x64x256xf32, #tpu.memory_space<vmem>> -> memref<1x64x256xf32, #tpu.memory_space<vmem>>
    %dma_start3A_168 = tpu.memref_squeeze %dma_start3A_167 : memref<1x64x256xf32, #tpu.memory_space<vmem>> -> memref<64x256xf32, #tpu.memory_space<vmem>>
    %dma_start3A_169 = arith.constant 192 : i32
    %dma_start3A_170 = arith.constant 0 : i32
    %dma_start3A_171 = tpu.memref_slice %arg2[%squeeze3A, %dma_start3A_169, %dma_start3A_170] : memref<16x256x256xf32, #tpu.memory_space<hbm>> -> memref<1x64x256xf32, #tpu.memory_space<hbm>>
    %dma_start3A_172 = tpu.memref_squeeze %dma_start3A_171 : memref<1x64x256xf32, #tpu.memory_space<hbm>> -> memref<64x256xf32, #tpu.memory_space<hbm>>
    tpu.enqueue_dma source(%dma_start3A_172 : memref<64x256xf32, #tpu.memory_space<hbm>>) target(%dma_start3A_168 : memref<64x256xf32, #tpu.memory_space<vmem>>) target_semaphore(%arg10 : memref<!tpu.dma_semaphore, #tpu.memory_space<semaphore_mem>>)
    %mul3A_173 = arith.constant 4 : i32
    %mul3A_174 = arith.muli %add3A, %mul3A_173 : i32
    %add3A_175 = arith.constant 0 : i32
    %add3A_176 = arith.addi %mul3A_174, %add3A_175 : i32
    %dma_wait3A_177 = arith.constant 2 : i32
    %dma_wait3A_178 = arith.constant 0 : i32
    %dma_wait3A_179 = arith.constant 0 : i32
    %dma_wait3A_180 = tpu.memref_slice %arg6[%dma_wait3A_177, %dma_wait3A_178, %dma_wait3A_179] : memref<6x64x256xf32, #tpu.memory_space<vmem>> -> memref<1x64x256xf32, #tpu.memory_space<vmem>>
    %dma_wait3A_181 = tpu.memref_squeeze %dma_wait3A_180 : memref<1x64x256xf32, #tpu.memory_space<vmem>> -> memref<64x256xf32, #tpu.memory_space<vmem>>
    %dma_wait3A_182 = arith.constant 128 : i32
    %dma_wait3A_183 = arith.constant 0 : i32
    %dma_wait3A_184 = tpu.memref_slice %arg2[%squeeze3A, %dma_wait3A_182, %dma_wait3A_183] : memref<16x256x256xf32, #tpu.memory_space<hbm>> -> memref<1x64x256xf32, #tpu.memory_space<hbm>>
    %dma_wait3A_185 = tpu.memref_squeeze %dma_wait3A_184 : memref<1x64x256xf32, #tpu.memory_space<hbm>> -> memref<64x256xf32, #tpu.memory_space<hbm>>
    %dma_wait3A_186 = arith.constant 0 : i32
    %dma_wait3A_187 = arith.constant 0 : i32
    %dma_wait3A_188 = tpu.memref_slice %arg6[%dma_wait3A_177, %dma_wait3A_186, %dma_wait3A_187] : memref<6x64x256xf32, #tpu.memory_space<vmem>> -> memref<1x64x256xf32, #tpu.memory_space<vmem>>
    %dma_wait3A_189 = tpu.memref_squeeze %dma_wait3A_188 : memref<1x64x256xf32, #tpu.memory_space<vmem>> -> memref<64x256xf32, #tpu.memory_space<vmem>>
    %dma_wait3A_190 = arith.constant 128 : i32
    %dma_wait3A_191 = arith.constant 0 : i32
    %dma_wait3A_192 = tpu.memref_slice %arg2[%squeeze3A, %dma_wait3A_190, %dma_wait3A_191] : memref<16x256x256xf32, #tpu.memory_space<hbm>> -> memref<1x64x256xf32, #tpu.memory_space<hbm>>
    %dma_wait3A_193 = tpu.memref_squeeze %dma_wait3A_192 : memref<1x64x256xf32, #tpu.memory_space<hbm>> -> memref<64x256xf32, #tpu.memory_space<hbm>>
    tpu.wait_dma2 semaphore(%arg9 : memref<!tpu.dma_semaphore, #tpu.memory_space<semaphore_mem>>) src(%dma_wait3A_193 : memref<64x256xf32, #tpu.memory_space<hbm>>) dst(%dma_wait3A_189 : memref<64x256xf32, #tpu.memory_space<vmem>>)
    %dma_start3A_194 = arith.constant 2 : i32
    %dma_start3A_195 = arith.constant 0 : i32
    %dma_start3A_196 = arith.constant 0 : i32
    %dma_start3A_197 = arith.constant 0 : i32
    %dma_start3A_198 = tpu.memref_slice %arg6[%dma_start3A_194, %dma_start3A_196, %dma_start3A_197] : memref<6x64x256xf32, #tpu.memory_space<vmem>> -> memref<1x64x256xf32, #tpu.memory_space<vmem>>
    %dma_start3A_199 = tpu.memref_squeeze %dma_start3A_198 : memref<1x64x256xf32, #tpu.memory_space<vmem>> -> memref<64x256xf32, #tpu.memory_space<vmem>>
    %dma_start3A_200 = arith.constant 128 : i32
    %dma_start3A_201 = arith.constant 0 : i32
    %dma_start3A_202 = tpu.memref_slice %arg4[%add3A_176, %dma_start3A_195, %dma_start3A_200, %dma_start3A_201] : memref<128x1x256x256xf32, #tpu.memory_space<hbm>> -> memref<1x1x64x256xf32, #tpu.memory_space<hbm>>
    %dma_start3A_203 = tpu.memref_squeeze %dma_start3A_202 : memref<1x1x64x256xf32, #tpu.memory_space<hbm>> -> memref<64x256xf32, #tpu.memory_space<hbm>>
    %dma_start3A_204 = arith.constant 128 : i32
    %dma_start3A_205 = arith.constant 0 : i32
    %dma_start3A_206 = tpu.memref_slice %arg4[%add3A_176, %dma_start3A_195, %dma_start3A_204, %dma_start3A_205] : memref<128x1x256x256xf32, #tpu.memory_space<hbm>> -> memref<1x1x64x256xf32, #tpu.memory_space<hbm>>
    %dma_start3A_207 = tpu.memref_squeeze %dma_start3A_206 : memref<1x1x64x256xf32, #tpu.memory_space<hbm>> -> memref<64x256xf32, #tpu.memory_space<hbm>>
    %dma_start3A_208 = arith.constant 0 : i32
    %dma_start3A_209 = arith.constant 0 : i32
    %dma_start3A_210 = tpu.memref_slice %arg6[%dma_start3A_194, %dma_start3A_208, %dma_start3A_209] : memref<6x64x256xf32, #tpu.memory_space<vmem>> -> memref<1x64x256xf32, #tpu.memory_space<vmem>>
    %dma_start3A_211 = tpu.memref_squeeze %dma_start3A_210 : memref<1x64x256xf32, #tpu.memory_space<vmem>> -> memref<64x256xf32, #tpu.memory_space<vmem>>
    tpu.enqueue_dma source(%dma_start3A_211 : memref<64x256xf32, #tpu.memory_space<vmem>>) target(%dma_start3A_207 : memref<64x256xf32, #tpu.memory_space<hbm>>) target_semaphore(%arg15 : memref<!tpu.dma_semaphore, #tpu.memory_space<semaphore_mem>>)
    %dma_start3A_212 = arith.constant 4 : i32
    %dma_start3A_213 = arith.constant 0 : i32
    %dma_start3A_214 = arith.constant 0 : i32
    %dma_start3A_215 = tpu.memref_slice %arg6[%dma_start3A_212, %dma_start3A_213, %dma_start3A_214] : memref<6x64x256xf32, #tpu.memory_space<vmem>> -> memref<1x64x256xf32, #tpu.memory_space<vmem>>
    %dma_start3A_216 = tpu.memref_squeeze %dma_start3A_215 : memref<1x64x256xf32, #tpu.memory_space<vmem>> -> memref<64x256xf32, #tpu.memory_space<vmem>>
    %dma_start3A_217 = arith.constant 0 : i32
    %dma_start3A_218 = arith.constant 0 : i32
    %dma_start3A_219 = tpu.memref_slice %arg2[%squeeze3A_12, %dma_start3A_217, %dma_start3A_218] : memref<16x256x256xf32, #tpu.memory_space<hbm>> -> memref<1x64x256xf32, #tpu.memory_space<hbm>>
    %dma_start3A_220 = tpu.memref_squeeze %dma_start3A_219 : memref<1x64x256xf32, #tpu.memory_space<hbm>> -> memref<64x256xf32, #tpu.memory_space<hbm>>
    %dma_start3A_221 = arith.constant 0 : i32
    %dma_start3A_222 = arith.constant 0 : i32
    %dma_start3A_223 = tpu.memref_slice %arg6[%dma_start3A_212, %dma_start3A_221, %dma_start3A_222] : memref<6x64x256xf32, #tpu.memory_space<vmem>> -> memref<1x64x256xf32, #tpu.memory_space<vmem>>
    %dma_start3A_224 = tpu.memref_squeeze %dma_start3A_223 : memref<1x64x256xf32, #tpu.memory_space<vmem>> -> memref<64x256xf32, #tpu.memory_space<vmem>>
    %dma_start3A_225 = arith.constant 0 : i32
    %dma_start3A_226 = arith.constant 0 : i32
    %dma_start3A_227 = tpu.memref_slice %arg2[%squeeze3A_12, %dma_start3A_225, %dma_start3A_226] : memref<16x256x256xf32, #tpu.memory_space<hbm>> -> memref<1x64x256xf32, #tpu.memory_space<hbm>>
    %dma_start3A_228 = tpu.memref_squeeze %dma_start3A_227 : memref<1x64x256xf32, #tpu.memory_space<hbm>> -> memref<64x256xf32, #tpu.memory_space<hbm>>
    tpu.enqueue_dma source(%dma_start3A_228 : memref<64x256xf32, #tpu.memory_space<hbm>>) target(%dma_start3A_224 : memref<64x256xf32, #tpu.memory_space<vmem>>) target_semaphore(%arg11 : memref<!tpu.dma_semaphore, #tpu.memory_space<semaphore_mem>>)
    %mul3A_229 = arith.constant 4 : i32
    %mul3A_230 = arith.muli %add3A, %mul3A_229 : i32
    %add3A_231 = arith.constant 0 : i32
    %add3A_232 = arith.addi %mul3A_230, %add3A_231 : i32
    %dma_wait3A_233 = arith.constant 3 : i32
    %dma_wait3A_234 = arith.constant 0 : i32
    %dma_wait3A_235 = arith.constant 0 : i32
    %dma_wait3A_236 = tpu.memref_slice %arg6[%dma_wait3A_233, %dma_wait3A_234, %dma_wait3A_235] : memref<6x64x256xf32, #tpu.memory_space<vmem>> -> memref<1x64x256xf32, #tpu.memory_space<vmem>>
    %dma_wait3A_237 = tpu.memref_squeeze %dma_wait3A_236 : memref<1x64x256xf32, #tpu.memory_space<vmem>> -> memref<64x256xf32, #tpu.memory_space<vmem>>
    %dma_wait3A_238 = arith.constant 192 : i32
    %dma_wait3A_239 = arith.constant 0 : i32
    %dma_wait3A_240 = tpu.memref_slice %arg2[%squeeze3A, %dma_wait3A_238, %dma_wait3A_239] : memref<16x256x256xf32, #tpu.memory_space<hbm>> -> memref<1x64x256xf32, #tpu.memory_space<hbm>>
    %dma_wait3A_241 = tpu.memref_squeeze %dma_wait3A_240 : memref<1x64x256xf32, #tpu.memory_space<hbm>> -> memref<64x256xf32, #tpu.memory_space<hbm>>
    %dma_wait3A_242 = arith.constant 0 : i32
    %dma_wait3A_243 = arith.constant 0 : i32
    %dma_wait3A_244 = tpu.memref_slice %arg6[%dma_wait3A_233, %dma_wait3A_242, %dma_wait3A_243] : memref<6x64x256xf32, #tpu.memory_space<vmem>> -> memref<1x64x256xf32, #tpu.memory_space<vmem>>
    %dma_wait3A_245 = tpu.memref_squeeze %dma_wait3A_244 : memref<1x64x256xf32, #tpu.memory_space<vmem>> -> memref<64x256xf32, #tpu.memory_space<vmem>>
    %dma_wait3A_246 = arith.constant 192 : i32
    %dma_wait3A_247 = arith.constant 0 : i32
    %dma_wait3A_248 = tpu.memref_slice %arg2[%squeeze3A, %dma_wait3A_246, %dma_wait3A_247] : memref<16x256x256xf32, #tpu.memory_space<hbm>> -> memref<1x64x256xf32, #tpu.memory_space<hbm>>
    %dma_wait3A_249 = tpu.memref_squeeze %dma_wait3A_248 : memref<1x64x256xf32, #tpu.memory_space<hbm>> -> memref<64x256xf32, #tpu.memory_space<hbm>>
    tpu.wait_dma2 semaphore(%arg10 : memref<!tpu.dma_semaphore, #tpu.memory_space<semaphore_mem>>) src(%dma_wait3A_249 : memref<64x256xf32, #tpu.memory_space<hbm>>) dst(%dma_wait3A_245 : memref<64x256xf32, #tpu.memory_space<vmem>>)
    %dma_start3A_250 = arith.constant 3 : i32
    %dma_start3A_251 = arith.constant 0 : i32
    %dma_start3A_252 = arith.constant 0 : i32
    %dma_start3A_253 = arith.constant 0 : i32
    %dma_start3A_254 = tpu.memref_slice %arg6[%dma_start3A_250, %dma_start3A_252, %dma_start3A_253] : memref<6x64x256xf32, #tpu.memory_space<vmem>> -> memref<1x64x256xf32, #tpu.memory_space<vmem>>
    %dma_start3A_255 = tpu.memref_squeeze %dma_start3A_254 : memref<1x64x256xf32, #tpu.memory_space<vmem>> -> memref<64x256xf32, #tpu.memory_space<vmem>>
    %dma_start3A_256 = arith.constant 192 : i32
    %dma_start3A_257 = arith.constant 0 : i32
    %dma_start3A_258 = tpu.memref_slice %arg4[%add3A_232, %dma_start3A_251, %dma_start3A_256, %dma_start3A_257] : memref<128x1x256x256xf32, #tpu.memory_space<hbm>> -> memref<1x1x64x256xf32, #tpu.memory_space<hbm>>
    %dma_start3A_259 = tpu.memref_squeeze %dma_start3A_258 : memref<1x1x64x256xf32, #tpu.memory_space<hbm>> -> memref<64x256xf32, #tpu.memory_space<hbm>>
    %dma_start3A_260 = arith.constant 192 : i32
    %dma_start3A_261 = arith.constant 0 : i32
    %dma_start3A_262 = tpu.memref_slice %arg4[%add3A_232, %dma_start3A_251, %dma_start3A_260, %dma_start3A_261] : memref<128x1x256x256xf32, #tpu.memory_space<hbm>> -> memref<1x1x64x256xf32, #tpu.memory_space<hbm>>
    %dma_start3A_263 = tpu.memref_squeeze %dma_start3A_262 : memref<1x1x64x256xf32, #tpu.memory_space<hbm>> -> memref<64x256xf32, #tpu.memory_space<hbm>>
    %dma_start3A_264 = arith.constant 0 : i32
    %dma_start3A_265 = arith.constant 0 : i32
    %dma_start3A_266 = tpu.memref_slice %arg6[%dma_start3A_250, %dma_start3A_264, %dma_start3A_265] : memref<6x64x256xf32, #tpu.memory_space<vmem>> -> memref<1x64x256xf32, #tpu.memory_space<vmem>>
    %dma_start3A_267 = tpu.memref_squeeze %dma_start3A_266 : memref<1x64x256xf32, #tpu.memory_space<vmem>> -> memref<64x256xf32, #tpu.memory_space<vmem>>
    tpu.enqueue_dma source(%dma_start3A_267 : memref<64x256xf32, #tpu.memory_space<vmem>>) target(%dma_start3A_263 : memref<64x256xf32, #tpu.memory_space<hbm>>) target_semaphore(%arg16 : memref<!tpu.dma_semaphore, #tpu.memory_space<semaphore_mem>>)
    %dma_start3A_268 = arith.constant 5 : i32
    %dma_start3A_269 = arith.constant 0 : i32
    %dma_start3A_270 = arith.constant 0 : i32
    %dma_start3A_271 = tpu.memref_slice %arg6[%dma_start3A_268, %dma_start3A_269, %dma_start3A_270] : memref<6x64x256xf32, #tpu.memory_space<vmem>> -> memref<1x64x256xf32, #tpu.memory_space<vmem>>
    %dma_start3A_272 = tpu.memref_squeeze %dma_start3A_271 : memref<1x64x256xf32, #tpu.memory_space<vmem>> -> memref<64x256xf32, #tpu.memory_space<vmem>>
    %dma_start3A_273 = arith.constant 64 : i32
    %dma_start3A_274 = arith.constant 0 : i32
    %dma_start3A_275 = tpu.memref_slice %arg2[%squeeze3A_12, %dma_start3A_273, %dma_start3A_274] : memref<16x256x256xf32, #tpu.memory_space<hbm>> -> memref<1x64x256xf32, #tpu.memory_space<hbm>>
    %dma_start3A_276 = tpu.memref_squeeze %dma_start3A_275 : memref<1x64x256xf32, #tpu.memory_space<hbm>> -> memref<64x256xf32, #tpu.memory_space<hbm>>
    %dma_start3A_277 = arith.constant 0 : i32
    %dma_start3A_278 = arith.constant 0 : i32
    %dma_start3A_279 = tpu.memref_slice %arg6[%dma_start3A_268, %dma_start3A_277, %dma_start3A_278] : memref<6x64x256xf32, #tpu.memory_space<vmem>> -> memref<1x64x256xf32, #tpu.memory_space<vmem>>
    %dma_start3A_280 = tpu.memref_squeeze %dma_start3A_279 : memref<1x64x256xf32, #tpu.memory_space<vmem>> -> memref<64x256xf32, #tpu.memory_space<vmem>>
    %dma_start3A_281 = arith.constant 64 : i32
    %dma_start3A_282 = arith.constant 0 : i32
    %dma_start3A_283 = tpu.memref_slice %arg2[%squeeze3A_12, %dma_start3A_281, %dma_start3A_282] : memref<16x256x256xf32, #tpu.memory_space<hbm>> -> memref<1x64x256xf32, #tpu.memory_space<hbm>>
    %dma_start3A_284 = tpu.memref_squeeze %dma_start3A_283 : memref<1x64x256xf32, #tpu.memory_space<hbm>> -> memref<64x256xf32, #tpu.memory_space<hbm>>
    tpu.enqueue_dma source(%dma_start3A_284 : memref<64x256xf32, #tpu.memory_space<hbm>>) target(%dma_start3A_280 : memref<64x256xf32, #tpu.memory_space<vmem>>) target_semaphore(%arg12 : memref<!tpu.dma_semaphore, #tpu.memory_space<semaphore_mem>>)
    %mul3A_285 = arith.constant 4 : i32
    %mul3A_286 = arith.muli %add3A, %mul3A_285 : i32
    %add3A_287 = arith.constant 1 : i32
    %add3A_288 = arith.addi %mul3A_286, %add3A_287 : i32
    %dma_wait3A_289 = arith.constant 4 : i32
    %dma_wait3A_290 = arith.constant 0 : i32
    %dma_wait3A_291 = arith.constant 0 : i32
    %dma_wait3A_292 = tpu.memref_slice %arg6[%dma_wait3A_289, %dma_wait3A_290, %dma_wait3A_291] : memref<6x64x256xf32, #tpu.memory_space<vmem>> -> memref<1x64x256xf32, #tpu.memory_space<vmem>>
    %dma_wait3A_293 = tpu.memref_squeeze %dma_wait3A_292 : memref<1x64x256xf32, #tpu.memory_space<vmem>> -> memref<64x256xf32, #tpu.memory_space<vmem>>
    %dma_wait3A_294 = arith.constant 0 : i32
    %dma_wait3A_295 = arith.constant 0 : i32
    %dma_wait3A_296 = tpu.memref_slice %arg2[%squeeze3A_12, %dma_wait3A_294, %dma_wait3A_295] : memref<16x256x256xf32, #tpu.memory_space<hbm>> -> memref<1x64x256xf32, #tpu.memory_space<hbm>>
    %dma_wait3A_297 = tpu.memref_squeeze %dma_wait3A_296 : memref<1x64x256xf32, #tpu.memory_space<hbm>> -> memref<64x256xf32, #tpu.memory_space<hbm>>
    %dma_wait3A_298 = arith.constant 0 : i32
    %dma_wait3A_299 = arith.constant 0 : i32
    %dma_wait3A_300 = tpu.memref_slice %arg6[%dma_wait3A_289, %dma_wait3A_298, %dma_wait3A_299] : memref<6x64x256xf32, #tpu.memory_space<vmem>> -> memref<1x64x256xf32, #tpu.memory_space<vmem>>
    %dma_wait3A_301 = tpu.memref_squeeze %dma_wait3A_300 : memref<1x64x256xf32, #tpu.memory_space<vmem>> -> memref<64x256xf32, #tpu.memory_space<vmem>>
    %dma_wait3A_302 = arith.constant 0 : i32
    %dma_wait3A_303 = arith.constant 0 : i32
    %dma_wait3A_304 = tpu.memref_slice %arg2[%squeeze3A_12, %dma_wait3A_302, %dma_wait3A_303] : memref<16x256x256xf32, #tpu.memory_space<hbm>> -> memref<1x64x256xf32, #tpu.memory_space<hbm>>
    %dma_wait3A_305 = tpu.memref_squeeze %dma_wait3A_304 : memref<1x64x256xf32, #tpu.memory_space<hbm>> -> memref<64x256xf32, #tpu.memory_space<hbm>>
    tpu.wait_dma2 semaphore(%arg11 : memref<!tpu.dma_semaphore, #tpu.memory_space<semaphore_mem>>) src(%dma_wait3A_305 : memref<64x256xf32, #tpu.memory_space<hbm>>) dst(%dma_wait3A_301 : memref<64x256xf32, #tpu.memory_space<vmem>>)
    %dma_start3A_306 = arith.constant 4 : i32
    %dma_start3A_307 = arith.constant 0 : i32
    %dma_start3A_308 = arith.constant 0 : i32
    %dma_start3A_309 = arith.constant 0 : i32
    %dma_start3A_310 = tpu.memref_slice %arg6[%dma_start3A_306, %dma_start3A_308, %dma_start3A_309] : memref<6x64x256xf32, #tpu.memory_space<vmem>> -> memref<1x64x256xf32, #tpu.memory_space<vmem>>
    %dma_start3A_311 = tpu.memref_squeeze %dma_start3A_310 : memref<1x64x256xf32, #tpu.memory_space<vmem>> -> memref<64x256xf32, #tpu.memory_space<vmem>>
    %dma_start3A_312 = arith.constant 0 : i32
    %dma_start3A_313 = arith.constant 0 : i32
    %dma_start3A_314 = tpu.memref_slice %arg4[%add3A_288, %dma_start3A_307, %dma_start3A_312, %dma_start3A_313] : memref<128x1x256x256xf32, #tpu.memory_space<hbm>> -> memref<1x1x64x256xf32, #tpu.memory_space<hbm>>
    %dma_start3A_315 = tpu.memref_squeeze %dma_start3A_314 : memref<1x1x64x256xf32, #tpu.memory_space<hbm>> -> memref<64x256xf32, #tpu.memory_space<hbm>>
    %dma_start3A_316 = arith.constant 0 : i32
    %dma_start3A_317 = arith.constant 0 : i32
    %dma_start3A_318 = tpu.memref_slice %arg4[%add3A_288, %dma_start3A_307, %dma_start3A_316, %dma_start3A_317] : memref<128x1x256x256xf32, #tpu.memory_space<hbm>> -> memref<1x1x64x256xf32, #tpu.memory_space<hbm>>
    %dma_start3A_319 = tpu.memref_squeeze %dma_start3A_318 : memref<1x1x64x256xf32, #tpu.memory_space<hbm>> -> memref<64x256xf32, #tpu.memory_space<hbm>>
    %dma_start3A_320 = arith.constant 0 : i32
    %dma_start3A_321 = arith.constant 0 : i32
    %dma_start3A_322 = tpu.memref_slice %arg6[%dma_start3A_306, %dma_start3A_320, %dma_start3A_321] : memref<6x64x256xf32, #tpu.memory_space<vmem>> -> memref<1x64x256xf32, #tpu.memory_space<vmem>>
    %dma_start3A_323 = tpu.memref_squeeze %dma_start3A_322 : memref<1x64x256xf32, #tpu.memory_space<vmem>> -> memref<64x256xf32, #tpu.memory_space<vmem>>
    tpu.enqueue_dma source(%dma_start3A_323 : memref<64x256xf32, #tpu.memory_space<vmem>>) target(%dma_start3A_319 : memref<64x256xf32, #tpu.memory_space<hbm>>) target_semaphore(%arg17 : memref<!tpu.dma_semaphore, #tpu.memory_space<semaphore_mem>>)
    %dma_wait3A_324 = arith.constant 0 : i32
    %dma_wait3A_325 = arith.constant 0 : i32
    %dma_wait3A_326 = arith.constant 0 : i32
    %dma_wait3A_327 = arith.constant 0 : i32
    %dma_wait3A_328 = tpu.memref_slice %arg6[%dma_wait3A_324, %dma_wait3A_326, %dma_wait3A_327] : memref<6x64x256xf32, #tpu.memory_space<vmem>> -> memref<1x64x256xf32, #tpu.memory_space<vmem>>
    %dma_wait3A_329 = tpu.memref_squeeze %dma_wait3A_328 : memref<1x64x256xf32, #tpu.memory_space<vmem>> -> memref<64x256xf32, #tpu.memory_space<vmem>>
    %dma_wait3A_330 = arith.constant 0 : i32
    %dma_wait3A_331 = arith.constant 0 : i32
    %dma_wait3A_332 = tpu.memref_slice %arg4[%add3A_65, %dma_wait3A_325, %dma_wait3A_330, %dma_wait3A_331] : memref<128x1x256x256xf32, #tpu.memory_space<hbm>> -> memref<1x1x64x256xf32, #tpu.memory_space<hbm>>
    %dma_wait3A_333 = tpu.memref_squeeze %dma_wait3A_332 : memref<1x1x64x256xf32, #tpu.memory_space<hbm>> -> memref<64x256xf32, #tpu.memory_space<hbm>>
    %dma_wait3A_334 = arith.constant 0 : i32
    %dma_wait3A_335 = arith.constant 0 : i32
    %dma_wait3A_336 = tpu.memref_slice %arg4[%add3A_65, %dma_wait3A_325, %dma_wait3A_334, %dma_wait3A_335] : memref<128x1x256x256xf32, #tpu.memory_space<hbm>> -> memref<1x1x64x256xf32, #tpu.memory_space<hbm>>
    %dma_wait3A_337 = tpu.memref_squeeze %dma_wait3A_336 : memref<1x1x64x256xf32, #tpu.memory_space<hbm>> -> memref<64x256xf32, #tpu.memory_space<hbm>>
    %dma_wait3A_338 = arith.constant 0 : i32
    %dma_wait3A_339 = arith.constant 0 : i32
    %dma_wait3A_340 = tpu.memref_slice %arg6[%dma_wait3A_324, %dma_wait3A_338, %dma_wait3A_339] : memref<6x64x256xf32, #tpu.memory_space<vmem>> -> memref<1x64x256xf32, #tpu.memory_space<vmem>>
    %dma_wait3A_341 = tpu.memref_squeeze %dma_wait3A_340 : memref<1x64x256xf32, #tpu.memory_space<vmem>> -> memref<64x256xf32, #tpu.memory_space<vmem>>
    tpu.wait_dma2 semaphore(%arg13 : memref<!tpu.dma_semaphore, #tpu.memory_space<semaphore_mem>>) src(%dma_wait3A_341 : memref<64x256xf32, #tpu.memory_space<vmem>>) dst(%dma_wait3A_337 : memref<64x256xf32, #tpu.memory_space<hbm>>)
    %dma_start3A_342 = arith.constant 0 : i32
    %dma_start3A_343 = arith.constant 0 : i32
    %dma_start3A_344 = arith.constant 0 : i32
    %dma_start3A_345 = tpu.memref_slice %arg6[%dma_start3A_342, %dma_start3A_343, %dma_start3A_344] : memref<6x64x256xf32, #tpu.memory_space<vmem>> -> memref<1x64x256xf32, #tpu.memory_space<vmem>>
    %dma_start3A_346 = tpu.memref_squeeze %dma_start3A_345 : memref<1x64x256xf32, #tpu.memory_space<vmem>> -> memref<64x256xf32, #tpu.memory_space<vmem>>
    %dma_start3A_347 = arith.constant 128 : i32
    %dma_start3A_348 = arith.constant 0 : i32
    %dma_start3A_349 = tpu.memref_slice %arg2[%squeeze3A_12, %dma_start3A_347, %dma_start3A_348] : memref<16x256x256xf32, #tpu.memory_space<hbm>> -> memref<1x64x256xf32, #tpu.memory_space<hbm>>
    %dma_start3A_350 = tpu.memref_squeeze %dma_start3A_349 : memref<1x64x256xf32, #tpu.memory_space<hbm>> -> memref<64x256xf32, #tpu.memory_space<hbm>>
    %dma_start3A_351 = arith.constant 0 : i32
    %dma_start3A_352 = arith.constant 0 : i32
    %dma_start3A_353 = tpu.memref_slice %arg6[%dma_start3A_342, %dma_start3A_351, %dma_start3A_352] : memref<6x64x256xf32, #tpu.memory_space<vmem>> -> memref<1x64x256xf32, #tpu.memory_space<vmem>>
    %dma_start3A_354 = tpu.memref_squeeze %dma_start3A_353 : memref<1x64x256xf32, #tpu.memory_space<vmem>> -> memref<64x256xf32, #tpu.memory_space<vmem>>
    %dma_start3A_355 = arith.constant 128 : i32
    %dma_start3A_356 = arith.constant 0 : i32
    %dma_start3A_357 = tpu.memref_slice %arg2[%squeeze3A_12, %dma_start3A_355, %dma_start3A_356] : memref<16x256x256xf32, #tpu.memory_space<hbm>> -> memref<1x64x256xf32, #tpu.memory_space<hbm>>
    %dma_start3A_358 = tpu.memref_squeeze %dma_start3A_357 : memref<1x64x256xf32, #tpu.memory_space<hbm>> -> memref<64x256xf32, #tpu.memory_space<hbm>>
    tpu.enqueue_dma source(%dma_start3A_358 : memref<64x256xf32, #tpu.memory_space<hbm>>) target(%dma_start3A_354 : memref<64x256xf32, #tpu.memory_space<vmem>>) target_semaphore(%arg7 : memref<!tpu.dma_semaphore, #tpu.memory_space<semaphore_mem>>)
    %mul3A_359 = arith.constant 4 : i32
    %mul3A_360 = arith.muli %add3A, %mul3A_359 : i32
    %add3A_361 = arith.constant 1 : i32
    %add3A_362 = arith.addi %mul3A_360, %add3A_361 : i32
    %dma_wait3A_363 = arith.constant 5 : i32
    %dma_wait3A_364 = arith.constant 0 : i32
    %dma_wait3A_365 = arith.constant 0 : i32
    %dma_wait3A_366 = tpu.memref_slice %arg6[%dma_wait3A_363, %dma_wait3A_364, %dma_wait3A_365] : memref<6x64x256xf32, #tpu.memory_space<vmem>> -> memref<1x64x256xf32, #tpu.memory_space<vmem>>
    %dma_wait3A_367 = tpu.memref_squeeze %dma_wait3A_366 : memref<1x64x256xf32, #tpu.memory_space<vmem>> -> memref<64x256xf32, #tpu.memory_space<vmem>>
    %dma_wait3A_368 = arith.constant 64 : i32
    %dma_wait3A_369 = arith.constant 0 : i32
    %dma_wait3A_370 = tpu.memref_slice %arg2[%squeeze3A_12, %dma_wait3A_368, %dma_wait3A_369] : memref<16x256x256xf32, #tpu.memory_space<hbm>> -> memref<1x64x256xf32, #tpu.memory_space<hbm>>
    %dma_wait3A_371 = tpu.memref_squeeze %dma_wait3A_370 : memref<1x64x256xf32, #tpu.memory_space<hbm>> -> memref<64x256xf32, #tpu.memory_space<hbm>>
    %dma_wait3A_372 = arith.constant 0 : i32
    %dma_wait3A_373 = arith.constant 0 : i32
    %dma_wait3A_374 = tpu.memref_slice %arg6[%dma_wait3A_363, %dma_wait3A_372, %dma_wait3A_373] : memref<6x64x256xf32, #tpu.memory_space<vmem>> -> memref<1x64x256xf32, #tpu.memory_space<vmem>>
    %dma_wait3A_375 = tpu.memref_squeeze %dma_wait3A_374 : memref<1x64x256xf32, #tpu.memory_space<vmem>> -> memref<64x256xf32, #tpu.memory_space<vmem>>
    %dma_wait3A_376 = arith.constant 64 : i32
    %dma_wait3A_377 = arith.constant 0 : i32
    %dma_wait3A_378 = tpu.memref_slice %arg2[%squeeze3A_12, %dma_wait3A_376, %dma_wait3A_377] : memref<16x256x256xf32, #tpu.memory_space<hbm>> -> memref<1x64x256xf32, #tpu.memory_space<hbm>>
    %dma_wait3A_379 = tpu.memref_squeeze %dma_wait3A_378 : memref<1x64x256xf32, #tpu.memory_space<hbm>> -> memref<64x256xf32, #tpu.memory_space<hbm>>
    tpu.wait_dma2 semaphore(%arg12 : memref<!tpu.dma_semaphore, #tpu.memory_space<semaphore_mem>>) src(%dma_wait3A_379 : memref<64x256xf32, #tpu.memory_space<hbm>>) dst(%dma_wait3A_375 : memref<64x256xf32, #tpu.memory_space<vmem>>)
    %dma_start3A_380 = arith.constant 5 : i32
    %dma_start3A_381 = arith.constant 0 : i32
    %dma_start3A_382 = arith.constant 0 : i32
    %dma_start3A_383 = arith.constant 0 : i32
    %dma_start3A_384 = tpu.memref_slice %arg6[%dma_start3A_380, %dma_start3A_382, %dma_start3A_383] : memref<6x64x256xf32, #tpu.memory_space<vmem>> -> memref<1x64x256xf32, #tpu.memory_space<vmem>>
    %dma_start3A_385 = tpu.memref_squeeze %dma_start3A_384 : memref<1x64x256xf32, #tpu.memory_space<vmem>> -> memref<64x256xf32, #tpu.memory_space<vmem>>
    %dma_start3A_386 = arith.constant 64 : i32
    %dma_start3A_387 = arith.constant 0 : i32
    %dma_start3A_388 = tpu.memref_slice %arg4[%add3A_362, %dma_start3A_381, %dma_start3A_386, %dma_start3A_387] : memref<128x1x256x256xf32, #tpu.memory_space<hbm>> -> memref<1x1x64x256xf32, #tpu.memory_space<hbm>>
    %dma_start3A_389 = tpu.memref_squeeze %dma_start3A_388 : memref<1x1x64x256xf32, #tpu.memory_space<hbm>> -> memref<64x256xf32, #tpu.memory_space<hbm>>
    %dma_start3A_390 = arith.constant 64 : i32
    %dma_start3A_391 = arith.constant 0 : i32
    %dma_start3A_392 = tpu.memref_slice %arg4[%add3A_362, %dma_start3A_381, %dma_start3A_390, %dma_start3A_391] : memref<128x1x256x256xf32, #tpu.memory_space<hbm>> -> memref<1x1x64x256xf32, #tpu.memory_space<hbm>>
    %dma_start3A_393 = tpu.memref_squeeze %dma_start3A_392 : memref<1x1x64x256xf32, #tpu.memory_space<hbm>> -> memref<64x256xf32, #tpu.memory_space<hbm>>
    %dma_start3A_394 = arith.constant 0 : i32
    %dma_start3A_395 = arith.constant 0 : i32
    %dma_start3A_396 = tpu.memref_slice %arg6[%dma_start3A_380, %dma_start3A_394, %dma_start3A_395] : memref<6x64x256xf32, #tpu.memory_space<vmem>> -> memref<1x64x256xf32, #tpu.memory_space<vmem>>
    %dma_start3A_397 = tpu.memref_squeeze %dma_start3A_396 : memref<1x64x256xf32, #tpu.memory_space<vmem>> -> memref<64x256xf32, #tpu.memory_space<vmem>>
    tpu.enqueue_dma source(%dma_start3A_397 : memref<64x256xf32, #tpu.memory_space<vmem>>) target(%dma_start3A_393 : memref<64x256xf32, #tpu.memory_space<hbm>>) target_semaphore(%arg18 : memref<!tpu.dma_semaphore, #tpu.memory_space<semaphore_mem>>)
    %dma_wait3A_398 = arith.constant 1 : i32
    %dma_wait3A_399 = arith.constant 0 : i32
    %dma_wait3A_400 = arith.constant 0 : i32
    %dma_wait3A_401 = arith.constant 0 : i32
    %dma_wait3A_402 = tpu.memref_slice %arg6[%dma_wait3A_398, %dma_wait3A_400, %dma_wait3A_401] : memref<6x64x256xf32, #tpu.memory_space<vmem>> -> memref<1x64x256xf32, #tpu.memory_space<vmem>>
    %dma_wait3A_403 = tpu.memref_squeeze %dma_wait3A_402 : memref<1x64x256xf32, #tpu.memory_space<vmem>> -> memref<64x256xf32, #tpu.memory_space<vmem>>
    %dma_wait3A_404 = arith.constant 64 : i32
    %dma_wait3A_405 = arith.constant 0 : i32
    %dma_wait3A_406 = tpu.memref_slice %arg4[%add3A_120, %dma_wait3A_399, %dma_wait3A_404, %dma_wait3A_405] : memref<128x1x256x256xf32, #tpu.memory_space<hbm>> -> memref<1x1x64x256xf32, #tpu.memory_space<hbm>>
    %dma_wait3A_407 = tpu.memref_squeeze %dma_wait3A_406 : memref<1x1x64x256xf32, #tpu.memory_space<hbm>> -> memref<64x256xf32, #tpu.memory_space<hbm>>
    %dma_wait3A_408 = arith.constant 64 : i32
    %dma_wait3A_409 = arith.constant 0 : i32
    %dma_wait3A_410 = tpu.memref_slice %arg4[%add3A_120, %dma_wait3A_399, %dma_wait3A_408, %dma_wait3A_409] : memref<128x1x256x256xf32, #tpu.memory_space<hbm>> -> memref<1x1x64x256xf32, #tpu.memory_space<hbm>>
    %dma_wait3A_411 = tpu.memref_squeeze %dma_wait3A_410 : memref<1x1x64x256xf32, #tpu.memory_space<hbm>> -> memref<64x256xf32, #tpu.memory_space<hbm>>
    %dma_wait3A_412 = arith.constant 0 : i32
    %dma_wait3A_413 = arith.constant 0 : i32
    %dma_wait3A_414 = tpu.memref_slice %arg6[%dma_wait3A_398, %dma_wait3A_412, %dma_wait3A_413] : memref<6x64x256xf32, #tpu.memory_space<vmem>> -> memref<1x64x256xf32, #tpu.memory_space<vmem>>
    %dma_wait3A_415 = tpu.memref_squeeze %dma_wait3A_414 : memref<1x64x256xf32, #tpu.memory_space<vmem>> -> memref<64x256xf32, #tpu.memory_space<vmem>>
    tpu.wait_dma2 semaphore(%arg14 : memref<!tpu.dma_semaphore, #tpu.memory_space<semaphore_mem>>) src(%dma_wait3A_415 : memref<64x256xf32, #tpu.memory_space<vmem>>) dst(%dma_wait3A_411 : memref<64x256xf32, #tpu.memory_space<hbm>>)
    %dma_start3A_416 = arith.constant 1 : i32
    %dma_start3A_417 = arith.constant 0 : i32
    %dma_start3A_418 = arith.constant 0 : i32
    %dma_start3A_419 = tpu.memref_slice %arg6[%dma_start3A_416, %dma_start3A_417, %dma_start3A_418] : memref<6x64x256xf32, #tpu.memory_space<vmem>> -> memref<1x64x256xf32, #tpu.memory_space<vmem>>
    %dma_start3A_420 = tpu.memref_squeeze %dma_start3A_419 : memref<1x64x256xf32, #tpu.memory_space<vmem>> -> memref<64x256xf32, #tpu.memory_space<vmem>>
    %dma_start3A_421 = arith.constant 192 : i32
    %dma_start3A_422 = arith.constant 0 : i32
    %dma_start3A_423 = tpu.memref_slice %arg2[%squeeze3A_12, %dma_start3A_421, %dma_start3A_422] : memref<16x256x256xf32, #tpu.memory_space<hbm>> -> memref<1x64x256xf32, #tpu.memory_space<hbm>>
    %dma_start3A_424 = tpu.memref_squeeze %dma_start3A_423 : memref<1x64x256xf32, #tpu.memory_space<hbm>> -> memref<64x256xf32, #tpu.memory_space<hbm>>
    %dma_start3A_425 = arith.constant 0 : i32
    %dma_start3A_426 = arith.constant 0 : i32
    %dma_start3A_427 = tpu.memref_slice %arg6[%dma_start3A_416, %dma_start3A_425, %dma_start3A_426] : memref<6x64x256xf32, #tpu.memory_space<vmem>> -> memref<1x64x256xf32, #tpu.memory_space<vmem>>
    %dma_start3A_428 = tpu.memref_squeeze %dma_start3A_427 : memref<1x64x256xf32, #tpu.memory_space<vmem>> -> memref<64x256xf32, #tpu.memory_space<vmem>>
    %dma_start3A_429 = arith.constant 192 : i32
    %dma_start3A_430 = arith.constant 0 : i32
    %dma_start3A_431 = tpu.memref_slice %arg2[%squeeze3A_12, %dma_start3A_429, %dma_start3A_430] : memref<16x256x256xf32, #tpu.memory_space<hbm>> -> memref<1x64x256xf32, #tpu.memory_space<hbm>>
    %dma_start3A_432 = tpu.memref_squeeze %dma_start3A_431 : memref<1x64x256xf32, #tpu.memory_space<hbm>> -> memref<64x256xf32, #tpu.memory_space<hbm>>
    tpu.enqueue_dma source(%dma_start3A_432 : memref<64x256xf32, #tpu.memory_space<hbm>>) target(%dma_start3A_428 : memref<64x256xf32, #tpu.memory_space<vmem>>) target_semaphore(%arg8 : memref<!tpu.dma_semaphore, #tpu.memory_space<semaphore_mem>>)
    %mul3A_433 = arith.constant 4 : i32
    %mul3A_434 = arith.muli %add3A, %mul3A_433 : i32
    %add3A_435 = arith.constant 1 : i32
    %add3A_436 = arith.addi %mul3A_434, %add3A_435 : i32
    %dma_wait3A_437 = arith.constant 0 : i32
    %dma_wait3A_438 = arith.constant 0 : i32
    %dma_wait3A_439 = arith.constant 0 : i32
    %dma_wait3A_440 = tpu.memref_slice %arg6[%dma_wait3A_437, %dma_wait3A_438, %dma_wait3A_439] : memref<6x64x256xf32, #tpu.memory_space<vmem>> -> memref<1x64x256xf32, #tpu.memory_space<vmem>>
    %dma_wait3A_441 = tpu.memref_squeeze %dma_wait3A_440 : memref<1x64x256xf32, #tpu.memory_space<vmem>> -> memref<64x256xf32, #tpu.memory_space<vmem>>
    %dma_wait3A_442 = arith.constant 128 : i32
    %dma_wait3A_443 = arith.constant 0 : i32
    %dma_wait3A_444 = tpu.memref_slice %arg2[%squeeze3A_12, %dma_wait3A_442, %dma_wait3A_443] : memref<16x256x256xf32, #tpu.memory_space<hbm>> -> memref<1x64x256xf32, #tpu.memory_space<hbm>>
    %dma_wait3A_445 = tpu.memref_squeeze %dma_wait3A_444 : memref<1x64x256xf32, #tpu.memory_space<hbm>> -> memref<64x256xf32, #tpu.memory_space<hbm>>
    %dma_wait3A_446 = arith.constant 0 : i32
    %dma_wait3A_447 = arith.constant 0 : i32
    %dma_wait3A_448 = tpu.memref_slice %arg6[%dma_wait3A_437, %dma_wait3A_446, %dma_wait3A_447] : memref<6x64x256xf32, #tpu.memory_space<vmem>> -> memref<1x64x256xf32, #tpu.memory_space<vmem>>
    %dma_wait3A_449 = tpu.memref_squeeze %dma_wait3A_448 : memref<1x64x256xf32, #tpu.memory_space<vmem>> -> memref<64x256xf32, #tpu.memory_space<vmem>>
    %dma_wait3A_450 = arith.constant 128 : i32
    %dma_wait3A_451 = arith.constant 0 : i32
    %dma_wait3A_452 = tpu.memref_slice %arg2[%squeeze3A_12, %dma_wait3A_450, %dma_wait3A_451] : memref<16x256x256xf32, #tpu.memory_space<hbm>> -> memref<1x64x256xf32, #tpu.memory_space<hbm>>
    %dma_wait3A_453 = tpu.memref_squeeze %dma_wait3A_452 : memref<1x64x256xf32, #tpu.memory_space<hbm>> -> memref<64x256xf32, #tpu.memory_space<hbm>>
    tpu.wait_dma2 semaphore(%arg7 : memref<!tpu.dma_semaphore, #tpu.memory_space<semaphore_mem>>) src(%dma_wait3A_453 : memref<64x256xf32, #tpu.memory_space<hbm>>) dst(%dma_wait3A_449 : memref<64x256xf32, #tpu.memory_space<vmem>>)
    %dma_start3A_454 = arith.constant 0 : i32
    %dma_start3A_455 = arith.constant 0 : i32
    %dma_start3A_456 = arith.constant 0 : i32
    %dma_start3A_457 = arith.constant 0 : i32
    %dma_start3A_458 = tpu.memref_slice %arg6[%dma_start3A_454, %dma_start3A_456, %dma_start3A_457] : memref<6x64x256xf32, #tpu.memory_space<vmem>> -> memref<1x64x256xf32, #tpu.memory_space<vmem>>
    %dma_start3A_459 = tpu.memref_squeeze %dma_start3A_458 : memref<1x64x256xf32, #tpu.memory_space<vmem>> -> memref<64x256xf32, #tpu.memory_space<vmem>>
    %dma_start3A_460 = arith.constant 128 : i32
    %dma_start3A_461 = arith.constant 0 : i32
    %dma_start3A_462 = tpu.memref_slice %arg4[%add3A_436, %dma_start3A_455, %dma_start3A_460, %dma_start3A_461] : memref<128x1x256x256xf32, #tpu.memory_space<hbm>> -> memref<1x1x64x256xf32, #tpu.memory_space<hbm>>
    %dma_start3A_463 = tpu.memref_squeeze %dma_start3A_462 : memref<1x1x64x256xf32, #tpu.memory_space<hbm>> -> memref<64x256xf32, #tpu.memory_space<hbm>>
    %dma_start3A_464 = arith.constant 128 : i32
    %dma_start3A_465 = arith.constant 0 : i32
    %dma_start3A_466 = tpu.memref_slice %arg4[%add3A_436, %dma_start3A_455, %dma_start3A_464, %dma_start3A_465] : memref<128x1x256x256xf32, #tpu.memory_space<hbm>> -> memref<1x1x64x256xf32, #tpu.memory_space<hbm>>
    %dma_start3A_467 = tpu.memref_squeeze %dma_start3A_466 : memref<1x1x64x256xf32, #tpu.memory_space<hbm>> -> memref<64x256xf32, #tpu.memory_space<hbm>>
    %dma_start3A_468 = arith.constant 0 : i32
    %dma_start3A_469 = arith.constant 0 : i32
    %dma_start3A_470 = tpu.memref_slice %arg6[%dma_start3A_454, %dma_start3A_468, %dma_start3A_469] : memref<6x64x256xf32, #tpu.memory_space<vmem>> -> memref<1x64x256xf32, #tpu.memory_space<vmem>>
    %dma_start3A_471 = tpu.memref_squeeze %dma_start3A_470 : memref<1x64x256xf32, #tpu.memory_space<vmem>> -> memref<64x256xf32, #tpu.memory_space<vmem>>
    tpu.enqueue_dma source(%dma_start3A_471 : memref<64x256xf32, #tpu.memory_space<vmem>>) target(%dma_start3A_467 : memref<64x256xf32, #tpu.memory_space<hbm>>) target_semaphore(%arg13 : memref<!tpu.dma_semaphore, #tpu.memory_space<semaphore_mem>>)
    %dma_wait3A_472 = arith.constant 2 : i32
    %dma_wait3A_473 = arith.constant 0 : i32
    %dma_wait3A_474 = arith.constant 0 : i32
    %dma_wait3A_475 = arith.constant 0 : i32
    %dma_wait3A_476 = tpu.memref_slice %arg6[%dma_wait3A_472, %dma_wait3A_474, %dma_wait3A_475] : memref<6x64x256xf32, #tpu.memory_space<vmem>> -> memref<1x64x256xf32, #tpu.memory_space<vmem>>
    %dma_wait3A_477 = tpu.memref_squeeze %dma_wait3A_476 : memref<1x64x256xf32, #tpu.memory_space<vmem>> -> memref<64x256xf32, #tpu.memory_space<vmem>>
    %dma_wait3A_478 = arith.constant 128 : i32
    %dma_wait3A_479 = arith.constant 0 : i32
    %dma_wait3A_480 = tpu.memref_slice %arg4[%add3A_176, %dma_wait3A_473, %dma_wait3A_478, %dma_wait3A_479] : memref<128x1x256x256xf32, #tpu.memory_space<hbm>> -> memref<1x1x64x256xf32, #tpu.memory_space<hbm>>
    %dma_wait3A_481 = tpu.memref_squeeze %dma_wait3A_480 : memref<1x1x64x256xf32, #tpu.memory_space<hbm>> -> memref<64x256xf32, #tpu.memory_space<hbm>>
    %dma_wait3A_482 = arith.constant 128 : i32
    %dma_wait3A_483 = arith.constant 0 : i32
    %dma_wait3A_484 = tpu.memref_slice %arg4[%add3A_176, %dma_wait3A_473, %dma_wait3A_482, %dma_wait3A_483] : memref<128x1x256x256xf32, #tpu.memory_space<hbm>> -> memref<1x1x64x256xf32, #tpu.memory_space<hbm>>
    %dma_wait3A_485 = tpu.memref_squeeze %dma_wait3A_484 : memref<1x1x64x256xf32, #tpu.memory_space<hbm>> -> memref<64x256xf32, #tpu.memory_space<hbm>>
    %dma_wait3A_486 = arith.constant 0 : i32
    %dma_wait3A_487 = arith.constant 0 : i32
    %dma_wait3A_488 = tpu.memref_slice %arg6[%dma_wait3A_472, %dma_wait3A_486, %dma_wait3A_487] : memref<6x64x256xf32, #tpu.memory_space<vmem>> -> memref<1x64x256xf32, #tpu.memory_space<vmem>>
    %dma_wait3A_489 = tpu.memref_squeeze %dma_wait3A_488 : memref<1x64x256xf32, #tpu.memory_space<vmem>> -> memref<64x256xf32, #tpu.memory_space<vmem>>
    tpu.wait_dma2 semaphore(%arg15 : memref<!tpu.dma_semaphore, #tpu.memory_space<semaphore_mem>>) src(%dma_wait3A_489 : memref<64x256xf32, #tpu.memory_space<vmem>>) dst(%dma_wait3A_485 : memref<64x256xf32, #tpu.memory_space<hbm>>)
    %dma_start3A_490 = arith.constant 2 : i32
    %dma_start3A_491 = arith.constant 0 : i32
    %dma_start3A_492 = arith.constant 0 : i32
    %dma_start3A_493 = tpu.memref_slice %arg6[%dma_start3A_490, %dma_start3A_491, %dma_start3A_492] : memref<6x64x256xf32, #tpu.memory_space<vmem>> -> memref<1x64x256xf32, #tpu.memory_space<vmem>>
    %dma_start3A_494 = tpu.memref_squeeze %dma_start3A_493 : memref<1x64x256xf32, #tpu.memory_space<vmem>> -> memref<64x256xf32, #tpu.memory_space<vmem>>
    %dma_start3A_495 = arith.constant 0 : i32
    %dma_start3A_496 = arith.constant 0 : i32
    %dma_start3A_497 = tpu.memref_slice %arg2[%squeeze3A_20, %dma_start3A_495, %dma_start3A_496] : memref<16x256x256xf32, #tpu.memory_space<hbm>> -> memref<1x64x256xf32, #tpu.memory_space<hbm>>
    %dma_start3A_498 = tpu.memref_squeeze %dma_start3A_497 : memref<1x64x256xf32, #tpu.memory_space<hbm>> -> memref<64x256xf32, #tpu.memory_space<hbm>>
    %dma_start3A_499 = arith.constant 0 : i32
    %dma_start3A_500 = arith.constant 0 : i32
    %dma_start3A_501 = tpu.memref_slice %arg6[%dma_start3A_490, %dma_start3A_499, %dma_start3A_500] : memref<6x64x256xf32, #tpu.memory_space<vmem>> -> memref<1x64x256xf32, #tpu.memory_space<vmem>>
    %dma_start3A_502 = tpu.memref_squeeze %dma_start3A_501 : memref<1x64x256xf32, #tpu.memory_space<vmem>> -> memref<64x256xf32, #tpu.memory_space<vmem>>
    %dma_start3A_503 = arith.constant 0 : i32
    %dma_start3A_504 = arith.constant 0 : i32
    %dma_start3A_505 = tpu.memref_slice %arg2[%squeeze3A_20, %dma_start3A_503, %dma_start3A_504] : memref<16x256x256xf32, #tpu.memory_space<hbm>> -> memref<1x64x256xf32, #tpu.memory_space<hbm>>
    %dma_start3A_506 = tpu.memref_squeeze %dma_start3A_505 : memref<1x64x256xf32, #tpu.memory_space<hbm>> -> memref<64x256xf32, #tpu.memory_space<hbm>>
    tpu.enqueue_dma source(%dma_start3A_506 : memref<64x256xf32, #tpu.memory_space<hbm>>) target(%dma_start3A_502 : memref<64x256xf32, #tpu.memory_space<vmem>>) target_semaphore(%arg9 : memref<!tpu.dma_semaphore, #tpu.memory_space<semaphore_mem>>)
    %mul3A_507 = arith.constant 4 : i32
    %mul3A_508 = arith.muli %add3A, %mul3A_507 : i32
    %add3A_509 = arith.constant 1 : i32
    %add3A_510 = arith.addi %mul3A_508, %add3A_509 : i32
    %dma_wait3A_511 = arith.constant 1 : i32
    %dma_wait3A_512 = arith.constant 0 : i32
    %dma_wait3A_513 = arith.constant 0 : i32
    %dma_wait3A_514 = tpu.memref_slice %arg6[%dma_wait3A_511, %dma_wait3A_512, %dma_wait3A_513] : memref<6x64x256xf32, #tpu.memory_space<vmem>> -> memref<1x64x256xf32, #tpu.memory_space<vmem>>
    %dma_wait3A_515 = tpu.memref_squeeze %dma_wait3A_514 : memref<1x64x256xf32, #tpu.memory_space<vmem>> -> memref<64x256xf32, #tpu.memory_space<vmem>>
    %dma_wait3A_516 = arith.constant 192 : i32
    %dma_wait3A_517 = arith.constant 0 : i32
    %dma_wait3A_518 = tpu.memref_slice %arg2[%squeeze3A_12, %dma_wait3A_516, %dma_wait3A_517] : memref<16x256x256xf32, #tpu.memory_space<hbm>> -> memref<1x64x256xf32, #tpu.memory_space<hbm>>
    %dma_wait3A_519 = tpu.memref_squeeze %dma_wait3A_518 : memref<1x64x256xf32, #tpu.memory_space<hbm>> -> memref<64x256xf32, #tpu.memory_space<hbm>>
    %dma_wait3A_520 = arith.constant 0 : i32
    %dma_wait3A_521 = arith.constant 0 : i32
    %dma_wait3A_522 = tpu.memref_slice %arg6[%dma_wait3A_511, %dma_wait3A_520, %dma_wait3A_521] : memref<6x64x256xf32, #tpu.memory_space<vmem>> -> memref<1x64x256xf32, #tpu.memory_space<vmem>>
    %dma_wait3A_523 = tpu.memref_squeeze %dma_wait3A_522 : memref<1x64x256xf32, #tpu.memory_space<vmem>> -> memref<64x256xf32, #tpu.memory_space<vmem>>
    %dma_wait3A_524 = arith.constant 192 : i32
    %dma_wait3A_525 = arith.constant 0 : i32
    %dma_wait3A_526 = tpu.memref_slice %arg2[%squeeze3A_12, %dma_wait3A_524, %dma_wait3A_525] : memref<16x256x256xf32, #tpu.memory_space<hbm>> -> memref<1x64x256xf32, #tpu.memory_space<hbm>>
    %dma_wait3A_527 = tpu.memref_squeeze %dma_wait3A_526 : memref<1x64x256xf32, #tpu.memory_space<hbm>> -> memref<64x256xf32, #tpu.memory_space<hbm>>
    tpu.wait_dma2 semaphore(%arg8 : memref<!tpu.dma_semaphore, #tpu.memory_space<semaphore_mem>>) src(%dma_wait3A_527 : memref<64x256xf32, #tpu.memory_space<hbm>>) dst(%dma_wait3A_523 : memref<64x256xf32, #tpu.memory_space<vmem>>)
    %dma_start3A_528 = arith.constant 1 : i32
    %dma_start3A_529 = arith.constant 0 : i32
    %dma_start3A_530 = arith.constant 0 : i32
    %dma_start3A_531 = arith.constant 0 : i32
    %dma_start3A_532 = tpu.memref_slice %arg6[%dma_start3A_528, %dma_start3A_530, %dma_start3A_531] : memref<6x64x256xf32, #tpu.memory_space<vmem>> -> memref<1x64x256xf32, #tpu.memory_space<vmem>>
    %dma_start3A_533 = tpu.memref_squeeze %dma_start3A_532 : memref<1x64x256xf32, #tpu.memory_space<vmem>> -> memref<64x256xf32, #tpu.memory_space<vmem>>
    %dma_start3A_534 = arith.constant 192 : i32
    %dma_start3A_535 = arith.constant 0 : i32
    %dma_start3A_536 = tpu.memref_slice %arg4[%add3A_510, %dma_start3A_529, %dma_start3A_534, %dma_start3A_535] : memref<128x1x256x256xf32, #tpu.memory_space<hbm>> -> memref<1x1x64x256xf32, #tpu.memory_space<hbm>>
    %dma_start3A_537 = tpu.memref_squeeze %dma_start3A_536 : memref<1x1x64x256xf32, #tpu.memory_space<hbm>> -> memref<64x256xf32, #tpu.memory_space<hbm>>
    %dma_start3A_538 = arith.constant 192 : i32
    %dma_start3A_539 = arith.constant 0 : i32
    %dma_start3A_540 = tpu.memref_slice %arg4[%add3A_510, %dma_start3A_529, %dma_start3A_538, %dma_start3A_539] : memref<128x1x256x256xf32, #tpu.memory_space<hbm>> -> memref<1x1x64x256xf32, #tpu.memory_space<hbm>>
    %dma_start3A_541 = tpu.memref_squeeze %dma_start3A_540 : memref<1x1x64x256xf32, #tpu.memory_space<hbm>> -> memref<64x256xf32, #tpu.memory_space<hbm>>
    %dma_start3A_542 = arith.constant 0 : i32
    %dma_start3A_543 = arith.constant 0 : i32
    %dma_start3A_544 = tpu.memref_slice %arg6[%dma_start3A_528, %dma_start3A_542, %dma_start3A_543] : memref<6x64x256xf32, #tpu.memory_space<vmem>> -> memref<1x64x256xf32, #tpu.memory_space<vmem>>
    %dma_start3A_545 = tpu.memref_squeeze %dma_start3A_544 : memref<1x64x256xf32, #tpu.memory_space<vmem>> -> memref<64x256xf32, #tpu.memory_space<vmem>>
    tpu.enqueue_dma source(%dma_start3A_545 : memref<64x256xf32, #tpu.memory_space<vmem>>) target(%dma_start3A_541 : memref<64x256xf32, #tpu.memory_space<hbm>>) target_semaphore(%arg14 : memref<!tpu.dma_semaphore, #tpu.memory_space<semaphore_mem>>)
    %dma_wait3A_546 = arith.constant 3 : i32
    %dma_wait3A_547 = arith.constant 0 : i32
    %dma_wait3A_548 = arith.constant 0 : i32
    %dma_wait3A_549 = arith.constant 0 : i32
    %dma_wait3A_550 = tpu.memref_slice %arg6[%dma_wait3A_546, %dma_wait3A_548, %dma_wait3A_549] : memref<6x64x256xf32, #tpu.memory_space<vmem>> -> memref<1x64x256xf32, #tpu.memory_space<vmem>>
    %dma_wait3A_551 = tpu.memref_squeeze %dma_wait3A_550 : memref<1x64x256xf32, #tpu.memory_space<vmem>> -> memref<64x256xf32, #tpu.memory_space<vmem>>
    %dma_wait3A_552 = arith.constant 192 : i32
    %dma_wait3A_553 = arith.constant 0 : i32
    %dma_wait3A_554 = tpu.memref_slice %arg4[%add3A_232, %dma_wait3A_547, %dma_wait3A_552, %dma_wait3A_553] : memref<128x1x256x256xf32, #tpu.memory_space<hbm>> -> memref<1x1x64x256xf32, #tpu.memory_space<hbm>>
    %dma_wait3A_555 = tpu.memref_squeeze %dma_wait3A_554 : memref<1x1x64x256xf32, #tpu.memory_space<hbm>> -> memref<64x256xf32, #tpu.memory_space<hbm>>
    %dma_wait3A_556 = arith.constant 192 : i32
    %dma_wait3A_557 = arith.constant 0 : i32
    %dma_wait3A_558 = tpu.memref_slice %arg4[%add3A_232, %dma_wait3A_547, %dma_wait3A_556, %dma_wait3A_557] : memref<128x1x256x256xf32, #tpu.memory_space<hbm>> -> memref<1x1x64x256xf32, #tpu.memory_space<hbm>>
    %dma_wait3A_559 = tpu.memref_squeeze %dma_wait3A_558 : memref<1x1x64x256xf32, #tpu.memory_space<hbm>> -> memref<64x256xf32, #tpu.memory_space<hbm>>
    %dma_wait3A_560 = arith.constant 0 : i32
    %dma_wait3A_561 = arith.constant 0 : i32
    %dma_wait3A_562 = tpu.memref_slice %arg6[%dma_wait3A_546, %dma_wait3A_560, %dma_wait3A_561] : memref<6x64x256xf32, #tpu.memory_space<vmem>> -> memref<1x64x256xf32, #tpu.memory_space<vmem>>
    %dma_wait3A_563 = tpu.memref_squeeze %dma_wait3A_562 : memref<1x64x256xf32, #tpu.memory_space<vmem>> -> memref<64x256xf32, #tpu.memory_space<vmem>>
    tpu.wait_dma2 semaphore(%arg16 : memref<!tpu.dma_semaphore, #tpu.memory_space<semaphore_mem>>) src(%dma_wait3A_563 : memref<64x256xf32, #tpu.memory_space<vmem>>) dst(%dma_wait3A_559 : memref<64x256xf32, #tpu.memory_space<hbm>>)
    %dma_start3A_564 = arith.constant 3 : i32
    %dma_start3A_565 = arith.constant 0 : i32
    %dma_start3A_566 = arith.constant 0 : i32
    %dma_start3A_567 = tpu.memref_slice %arg6[%dma_start3A_564, %dma_start3A_565, %dma_start3A_566] : memref<6x64x256xf32, #tpu.memory_space<vmem>> -> memref<1x64x256xf32, #tpu.memory_space<vmem>>
    %dma_start3A_568 = tpu.memref_squeeze %dma_start3A_567 : memref<1x64x256xf32, #tpu.memory_space<vmem>> -> memref<64x256xf32, #tpu.memory_space<vmem>>
    %dma_start3A_569 = arith.constant 64 : i32
    %dma_start3A_570 = arith.constant 0 : i32
    %dma_start3A_571 = tpu.memref_slice %arg2[%squeeze3A_20, %dma_start3A_569, %dma_start3A_570] : memref<16x256x256xf32, #tpu.memory_space<hbm>> -> memref<1x64x256xf32, #tpu.memory_space<hbm>>
    %dma_start3A_572 = tpu.memref_squeeze %dma_start3A_571 : memref<1x64x256xf32, #tpu.memory_space<hbm>> -> memref<64x256xf32, #tpu.memory_space<hbm>>
    %dma_start3A_573 = arith.constant 0 : i32
    %dma_start3A_574 = arith.constant 0 : i32
    %dma_start3A_575 = tpu.memref_slice %arg6[%dma_start3A_564, %dma_start3A_573, %dma_start3A_574] : memref<6x64x256xf32, #tpu.memory_space<vmem>> -> memref<1x64x256xf32, #tpu.memory_space<vmem>>
    %dma_start3A_576 = tpu.memref_squeeze %dma_start3A_575 : memref<1x64x256xf32, #tpu.memory_space<vmem>> -> memref<64x256xf32, #tpu.memory_space<vmem>>
    %dma_start3A_577 = arith.constant 64 : i32
    %dma_start3A_578 = arith.constant 0 : i32
    %dma_start3A_579 = tpu.memref_slice %arg2[%squeeze3A_20, %dma_start3A_577, %dma_start3A_578] : memref<16x256x256xf32, #tpu.memory_space<hbm>> -> memref<1x64x256xf32, #tpu.memory_space<hbm>>
    %dma_start3A_580 = tpu.memref_squeeze %dma_start3A_579 : memref<1x64x256xf32, #tpu.memory_space<hbm>> -> memref<64x256xf32, #tpu.memory_space<hbm>>
    tpu.enqueue_dma source(%dma_start3A_580 : memref<64x256xf32, #tpu.memory_space<hbm>>) target(%dma_start3A_576 : memref<64x256xf32, #tpu.memory_space<vmem>>) target_semaphore(%arg10 : memref<!tpu.dma_semaphore, #tpu.memory_space<semaphore_mem>>)
    %mul3A_581 = arith.constant 4 : i32
    %mul3A_582 = arith.muli %add3A, %mul3A_581 : i32
    %add3A_583 = arith.constant 2 : i32
    %add3A_584 = arith.addi %mul3A_582, %add3A_583 : i32
    %dma_wait3A_585 = arith.constant 2 : i32
    %dma_wait3A_586 = arith.constant 0 : i32
    %dma_wait3A_587 = arith.constant 0 : i32
    %dma_wait3A_588 = tpu.memref_slice %arg6[%dma_wait3A_585, %dma_wait3A_586, %dma_wait3A_587] : memref<6x64x256xf32, #tpu.memory_space<vmem>> -> memref<1x64x256xf32, #tpu.memory_space<vmem>>
    %dma_wait3A_589 = tpu.memref_squeeze %dma_wait3A_588 : memref<1x64x256xf32, #tpu.memory_space<vmem>> -> memref<64x256xf32, #tpu.memory_space<vmem>>
    %dma_wait3A_590 = arith.constant 0 : i32
    %dma_wait3A_591 = arith.constant 0 : i32
    %dma_wait3A_592 = tpu.memref_slice %arg2[%squeeze3A_20, %dma_wait3A_590, %dma_wait3A_591] : memref<16x256x256xf32, #tpu.memory_space<hbm>> -> memref<1x64x256xf32, #tpu.memory_space<hbm>>
    %dma_wait3A_593 = tpu.memref_squeeze %dma_wait3A_592 : memref<1x64x256xf32, #tpu.memory_space<hbm>> -> memref<64x256xf32, #tpu.memory_space<hbm>>
    %dma_wait3A_594 = arith.constant 0 : i32
    %dma_wait3A_595 = arith.constant 0 : i32
    %dma_wait3A_596 = tpu.memref_slice %arg6[%dma_wait3A_585, %dma_wait3A_594, %dma_wait3A_595] : memref<6x64x256xf32, #tpu.memory_space<vmem>> -> memref<1x64x256xf32, #tpu.memory_space<vmem>>
    %dma_wait3A_597 = tpu.memref_squeeze %dma_wait3A_596 : memref<1x64x256xf32, #tpu.memory_space<vmem>> -> memref<64x256xf32, #tpu.memory_space<vmem>>
    %dma_wait3A_598 = arith.constant 0 : i32
    %dma_wait3A_599 = arith.constant 0 : i32
    %dma_wait3A_600 = tpu.memref_slice %arg2[%squeeze3A_20, %dma_wait3A_598, %dma_wait3A_599] : memref<16x256x256xf32, #tpu.memory_space<hbm>> -> memref<1x64x256xf32, #tpu.memory_space<hbm>>
    %dma_wait3A_601 = tpu.memref_squeeze %dma_wait3A_600 : memref<1x64x256xf32, #tpu.memory_space<hbm>> -> memref<64x256xf32, #tpu.memory_space<hbm>>
    tpu.wait_dma2 semaphore(%arg9 : memref<!tpu.dma_semaphore, #tpu.memory_space<semaphore_mem>>) src(%dma_wait3A_601 : memref<64x256xf32, #tpu.memory_space<hbm>>) dst(%dma_wait3A_597 : memref<64x256xf32, #tpu.memory_space<vmem>>)
    %dma_start3A_602 = arith.constant 2 : i32
    %dma_start3A_603 = arith.constant 0 : i32
    %dma_start3A_604 = arith.constant 0 : i32
    %dma_start3A_605 = arith.constant 0 : i32
    %dma_start3A_606 = tpu.memref_slice %arg6[%dma_start3A_602, %dma_start3A_604, %dma_start3A_605] : memref<6x64x256xf32, #tpu.memory_space<vmem>> -> memref<1x64x256xf32, #tpu.memory_space<vmem>>
    %dma_start3A_607 = tpu.memref_squeeze %dma_start3A_606 : memref<1x64x256xf32, #tpu.memory_space<vmem>> -> memref<64x256xf32, #tpu.memory_space<vmem>>
    %dma_start3A_608 = arith.constant 0 : i32
    %dma_start3A_609 = arith.constant 0 : i32
    %dma_start3A_610 = tpu.memref_slice %arg4[%add3A_584, %dma_start3A_603, %dma_start3A_608, %dma_start3A_609] : memref<128x1x256x256xf32, #tpu.memory_space<hbm>> -> memref<1x1x64x256xf32, #tpu.memory_space<hbm>>
    %dma_start3A_611 = tpu.memref_squeeze %dma_start3A_610 : memref<1x1x64x256xf32, #tpu.memory_space<hbm>> -> memref<64x256xf32, #tpu.memory_space<hbm>>
    %dma_start3A_612 = arith.constant 0 : i32
    %dma_start3A_613 = arith.constant 0 : i32
    %dma_start3A_614 = tpu.memref_slice %arg4[%add3A_584, %dma_start3A_603, %dma_start3A_612, %dma_start3A_613] : memref<128x1x256x256xf32, #tpu.memory_space<hbm>> -> memref<1x1x64x256xf32, #tpu.memory_space<hbm>>
    %dma_start3A_615 = tpu.memref_squeeze %dma_start3A_614 : memref<1x1x64x256xf32, #tpu.memory_space<hbm>> -> memref<64x256xf32, #tpu.memory_space<hbm>>
    %dma_start3A_616 = arith.constant 0 : i32
    %dma_start3A_617 = arith.constant 0 : i32
    %dma_start3A_618 = tpu.memref_slice %arg6[%dma_start3A_602, %dma_start3A_616, %dma_start3A_617] : memref<6x64x256xf32, #tpu.memory_space<vmem>> -> memref<1x64x256xf32, #tpu.memory_space<vmem>>
    %dma_start3A_619 = tpu.memref_squeeze %dma_start3A_618 : memref<1x64x256xf32, #tpu.memory_space<vmem>> -> memref<64x256xf32, #tpu.memory_space<vmem>>
    tpu.enqueue_dma source(%dma_start3A_619 : memref<64x256xf32, #tpu.memory_space<vmem>>) target(%dma_start3A_615 : memref<64x256xf32, #tpu.memory_space<hbm>>) target_semaphore(%arg15 : memref<!tpu.dma_semaphore, #tpu.memory_space<semaphore_mem>>)
    %dma_wait3A_620 = arith.constant 4 : i32
    %dma_wait3A_621 = arith.constant 0 : i32
    %dma_wait3A_622 = arith.constant 0 : i32
    %dma_wait3A_623 = arith.constant 0 : i32
    %dma_wait3A_624 = tpu.memref_slice %arg6[%dma_wait3A_620, %dma_wait3A_622, %dma_wait3A_623] : memref<6x64x256xf32, #tpu.memory_space<vmem>> -> memref<1x64x256xf32, #tpu.memory_space<vmem>>
    %dma_wait3A_625 = tpu.memref_squeeze %dma_wait3A_624 : memref<1x64x256xf32, #tpu.memory_space<vmem>> -> memref<64x256xf32, #tpu.memory_space<vmem>>
    %dma_wait3A_626 = arith.constant 0 : i32
    %dma_wait3A_627 = arith.constant 0 : i32
    %dma_wait3A_628 = tpu.memref_slice %arg4[%add3A_288, %dma_wait3A_621, %dma_wait3A_626, %dma_wait3A_627] : memref<128x1x256x256xf32, #tpu.memory_space<hbm>> -> memref<1x1x64x256xf32, #tpu.memory_space<hbm>>
    %dma_wait3A_629 = tpu.memref_squeeze %dma_wait3A_628 : memref<1x1x64x256xf32, #tpu.memory_space<hbm>> -> memref<64x256xf32, #tpu.memory_space<hbm>>
    %dma_wait3A_630 = arith.constant 0 : i32
    %dma_wait3A_631 = arith.constant 0 : i32
    %dma_wait3A_632 = tpu.memref_slice %arg4[%add3A_288, %dma_wait3A_621, %dma_wait3A_630, %dma_wait3A_631] : memref<128x1x256x256xf32, #tpu.memory_space<hbm>> -> memref<1x1x64x256xf32, #tpu.memory_space<hbm>>
    %dma_wait3A_633 = tpu.memref_squeeze %dma_wait3A_632 : memref<1x1x64x256xf32, #tpu.memory_space<hbm>> -> memref<64x256xf32, #tpu.memory_space<hbm>>
    %dma_wait3A_634 = arith.constant 0 : i32
    %dma_wait3A_635 = arith.constant 0 : i32
    %dma_wait3A_636 = tpu.memref_slice %arg6[%dma_wait3A_620, %dma_wait3A_634, %dma_wait3A_635] : memref<6x64x256xf32, #tpu.memory_space<vmem>> -> memref<1x64x256xf32, #tpu.memory_space<vmem>>
    %dma_wait3A_637 = tpu.memref_squeeze %dma_wait3A_636 : memref<1x64x256xf32, #tpu.memory_space<vmem>> -> memref<64x256xf32, #tpu.memory_space<vmem>>
    tpu.wait_dma2 semaphore(%arg17 : memref<!tpu.dma_semaphore, #tpu.memory_space<semaphore_mem>>) src(%dma_wait3A_637 : memref<64x256xf32, #tpu.memory_space<vmem>>) dst(%dma_wait3A_633 : memref<64x256xf32, #tpu.memory_space<hbm>>)
    %dma_start3A_638 = arith.constant 4 : i32
    %dma_start3A_639 = arith.constant 0 : i32
    %dma_start3A_640 = arith.constant 0 : i32
    %dma_start3A_641 = tpu.memref_slice %arg6[%dma_start3A_638, %dma_start3A_639, %dma_start3A_640] : memref<6x64x256xf32, #tpu.memory_space<vmem>> -> memref<1x64x256xf32, #tpu.memory_space<vmem>>
    %dma_start3A_642 = tpu.memref_squeeze %dma_start3A_641 : memref<1x64x256xf32, #tpu.memory_space<vmem>> -> memref<64x256xf32, #tpu.memory_space<vmem>>
    %dma_start3A_643 = arith.constant 128 : i32
    %dma_start3A_644 = arith.constant 0 : i32
    %dma_start3A_645 = tpu.memref_slice %arg2[%squeeze3A_20, %dma_start3A_643, %dma_start3A_644] : memref<16x256x256xf32, #tpu.memory_space<hbm>> -> memref<1x64x256xf32, #tpu.memory_space<hbm>>
    %dma_start3A_646 = tpu.memref_squeeze %dma_start3A_645 : memref<1x64x256xf32, #tpu.memory_space<hbm>> -> memref<64x256xf32, #tpu.memory_space<hbm>>
    %dma_start3A_647 = arith.constant 0 : i32
    %dma_start3A_648 = arith.constant 0 : i32
    %dma_start3A_649 = tpu.memref_slice %arg6[%dma_start3A_638, %dma_start3A_647, %dma_start3A_648] : memref<6x64x256xf32, #tpu.memory_space<vmem>> -> memref<1x64x256xf32, #tpu.memory_space<vmem>>
    %dma_start3A_650 = tpu.memref_squeeze %dma_start3A_649 : memref<1x64x256xf32, #tpu.memory_space<vmem>> -> memref<64x256xf32, #tpu.memory_space<vmem>>
    %dma_start3A_651 = arith.constant 128 : i32
    %dma_start3A_652 = arith.constant 0 : i32
    %dma_start3A_653 = tpu.memref_slice %arg2[%squeeze3A_20, %dma_start3A_651, %dma_start3A_652] : memref<16x256x256xf32, #tpu.memory_space<hbm>> -> memref<1x64x256xf32, #tpu.memory_space<hbm>>
    %dma_start3A_654 = tpu.memref_squeeze %dma_start3A_653 : memref<1x64x256xf32, #tpu.memory_space<hbm>> -> memref<64x256xf32, #tpu.memory_space<hbm>>
    tpu.enqueue_dma source(%dma_start3A_654 : memref<64x256xf32, #tpu.memory_space<hbm>>) target(%dma_start3A_650 : memref<64x256xf32, #tpu.memory_space<vmem>>) target_semaphore(%arg11 : memref<!tpu.dma_semaphore, #tpu.memory_space<semaphore_mem>>)
    %mul3A_655 = arith.constant 4 : i32
    %mul3A_656 = arith.muli %add3A, %mul3A_655 : i32
    %add3A_657 = arith.constant 2 : i32
    %add3A_658 = arith.addi %mul3A_656, %add3A_657 : i32
    %dma_wait3A_659 = arith.constant 3 : i32
    %dma_wait3A_660 = arith.constant 0 : i32
    %dma_wait3A_661 = arith.constant 0 : i32
    %dma_wait3A_662 = tpu.memref_slice %arg6[%dma_wait3A_659, %dma_wait3A_660, %dma_wait3A_661] : memref<6x64x256xf32, #tpu.memory_space<vmem>> -> memref<1x64x256xf32, #tpu.memory_space<vmem>>
    %dma_wait3A_663 = tpu.memref_squeeze %dma_wait3A_662 : memref<1x64x256xf32, #tpu.memory_space<vmem>> -> memref<64x256xf32, #tpu.memory_space<vmem>>
    %dma_wait3A_664 = arith.constant 64 : i32
    %dma_wait3A_665 = arith.constant 0 : i32
    %dma_wait3A_666 = tpu.memref_slice %arg2[%squeeze3A_20, %dma_wait3A_664, %dma_wait3A_665] : memref<16x256x256xf32, #tpu.memory_space<hbm>> -> memref<1x64x256xf32, #tpu.memory_space<hbm>>
    %dma_wait3A_667 = tpu.memref_squeeze %dma_wait3A_666 : memref<1x64x256xf32, #tpu.memory_space<hbm>> -> memref<64x256xf32, #tpu.memory_space<hbm>>
    %dma_wait3A_668 = arith.constant 0 : i32
    %dma_wait3A_669 = arith.constant 0 : i32
    %dma_wait3A_670 = tpu.memref_slice %arg6[%dma_wait3A_659, %dma_wait3A_668, %dma_wait3A_669] : memref<6x64x256xf32, #tpu.memory_space<vmem>> -> memref<1x64x256xf32, #tpu.memory_space<vmem>>
    %dma_wait3A_671 = tpu.memref_squeeze %dma_wait3A_670 : memref<1x64x256xf32, #tpu.memory_space<vmem>> -> memref<64x256xf32, #tpu.memory_space<vmem>>
    %dma_wait3A_672 = arith.constant 64 : i32
    %dma_wait3A_673 = arith.constant 0 : i32
    %dma_wait3A_674 = tpu.memref_slice %arg2[%squeeze3A_20, %dma_wait3A_672, %dma_wait3A_673] : memref<16x256x256xf32, #tpu.memory_space<hbm>> -> memref<1x64x256xf32, #tpu.memory_space<hbm>>
    %dma_wait3A_675 = tpu.memref_squeeze %dma_wait3A_674 : memref<1x64x256xf32, #tpu.memory_space<hbm>> -> memref<64x256xf32, #tpu.memory_space<hbm>>
    tpu.wait_dma2 semaphore(%arg10 : memref<!tpu.dma_semaphore, #tpu.memory_space<semaphore_mem>>) src(%dma_wait3A_675 : memref<64x256xf32, #tpu.memory_space<hbm>>) dst(%dma_wait3A_671 : memref<64x256xf32, #tpu.memory_space<vmem>>)
    %dma_start3A_676 = arith.constant 3 : i32
    %dma_start3A_677 = arith.constant 0 : i32
    %dma_start3A_678 = arith.constant 0 : i32
    %dma_start3A_679 = arith.constant 0 : i32
    %dma_start3A_680 = tpu.memref_slice %arg6[%dma_start3A_676, %dma_start3A_678, %dma_start3A_679] : memref<6x64x256xf32, #tpu.memory_space<vmem>> -> memref<1x64x256xf32, #tpu.memory_space<vmem>>
    %dma_start3A_681 = tpu.memref_squeeze %dma_start3A_680 : memref<1x64x256xf32, #tpu.memory_space<vmem>> -> memref<64x256xf32, #tpu.memory_space<vmem>>
    %dma_start3A_682 = arith.constant 64 : i32
    %dma_start3A_683 = arith.constant 0 : i32
    %dma_start3A_684 = tpu.memref_slice %arg4[%add3A_658, %dma_start3A_677, %dma_start3A_682, %dma_start3A_683] : memref<128x1x256x256xf32, #tpu.memory_space<hbm>> -> memref<1x1x64x256xf32, #tpu.memory_space<hbm>>
    %dma_start3A_685 = tpu.memref_squeeze %dma_start3A_684 : memref<1x1x64x256xf32, #tpu.memory_space<hbm>> -> memref<64x256xf32, #tpu.memory_space<hbm>>
    %dma_start3A_686 = arith.constant 64 : i32
    %dma_start3A_687 = arith.constant 0 : i32
    %dma_start3A_688 = tpu.memref_slice %arg4[%add3A_658, %dma_start3A_677, %dma_start3A_686, %dma_start3A_687] : memref<128x1x256x256xf32, #tpu.memory_space<hbm>> -> memref<1x1x64x256xf32, #tpu.memory_space<hbm>>
    %dma_start3A_689 = tpu.memref_squeeze %dma_start3A_688 : memref<1x1x64x256xf32, #tpu.memory_space<hbm>> -> memref<64x256xf32, #tpu.memory_space<hbm>>
    %dma_start3A_690 = arith.constant 0 : i32
    %dma_start3A_691 = arith.constant 0 : i32
    %dma_start3A_692 = tpu.memref_slice %arg6[%dma_start3A_676, %dma_start3A_690, %dma_start3A_691] : memref<6x64x256xf32, #tpu.memory_space<vmem>> -> memref<1x64x256xf32, #tpu.memory_space<vmem>>
    %dma_start3A_693 = tpu.memref_squeeze %dma_start3A_692 : memref<1x64x256xf32, #tpu.memory_space<vmem>> -> memref<64x256xf32, #tpu.memory_space<vmem>>
    tpu.enqueue_dma source(%dma_start3A_693 : memref<64x256xf32, #tpu.memory_space<vmem>>) target(%dma_start3A_689 : memref<64x256xf32, #tpu.memory_space<hbm>>) target_semaphore(%arg16 : memref<!tpu.dma_semaphore, #tpu.memory_space<semaphore_mem>>)
    %dma_wait3A_694 = arith.constant 5 : i32
    %dma_wait3A_695 = arith.constant 0 : i32
    %dma_wait3A_696 = arith.constant 0 : i32
    %dma_wait3A_697 = arith.constant 0 : i32
    %dma_wait3A_698 = tpu.memref_slice %arg6[%dma_wait3A_694, %dma_wait3A_696, %dma_wait3A_697] : memref<6x64x256xf32, #tpu.memory_space<vmem>> -> memref<1x64x256xf32, #tpu.memory_space<vmem>>
    %dma_wait3A_699 = tpu.memref_squeeze %dma_wait3A_698 : memref<1x64x256xf32, #tpu.memory_space<vmem>> -> memref<64x256xf32, #tpu.memory_space<vmem>>
    %dma_wait3A_700 = arith.constant 64 : i32
    %dma_wait3A_701 = arith.constant 0 : i32
    %dma_wait3A_702 = tpu.memref_slice %arg4[%add3A_362, %dma_wait3A_695, %dma_wait3A_700, %dma_wait3A_701] : memref<128x1x256x256xf32, #tpu.memory_space<hbm>> -> memref<1x1x64x256xf32, #tpu.memory_space<hbm>>
    %dma_wait3A_703 = tpu.memref_squeeze %dma_wait3A_702 : memref<1x1x64x256xf32, #tpu.memory_space<hbm>> -> memref<64x256xf32, #tpu.memory_space<hbm>>
    %dma_wait3A_704 = arith.constant 64 : i32
    %dma_wait3A_705 = arith.constant 0 : i32
    %dma_wait3A_706 = tpu.memref_slice %arg4[%add3A_362, %dma_wait3A_695, %dma_wait3A_704, %dma_wait3A_705] : memref<128x1x256x256xf32, #tpu.memory_space<hbm>> -> memref<1x1x64x256xf32, #tpu.memory_space<hbm>>
    %dma_wait3A_707 = tpu.memref_squeeze %dma_wait3A_706 : memref<1x1x64x256xf32, #tpu.memory_space<hbm>> -> memref<64x256xf32, #tpu.memory_space<hbm>>
    %dma_wait3A_708 = arith.constant 0 : i32
    %dma_wait3A_709 = arith.constant 0 : i32
    %dma_wait3A_710 = tpu.memref_slice %arg6[%dma_wait3A_694, %dma_wait3A_708, %dma_wait3A_709] : memref<6x64x256xf32, #tpu.memory_space<vmem>> -> memref<1x64x256xf32, #tpu.memory_space<vmem>>
    %dma_wait3A_711 = tpu.memref_squeeze %dma_wait3A_710 : memref<1x64x256xf32, #tpu.memory_space<vmem>> -> memref<64x256xf32, #tpu.memory_space<vmem>>
    tpu.wait_dma2 semaphore(%arg18 : memref<!tpu.dma_semaphore, #tpu.memory_space<semaphore_mem>>) src(%dma_wait3A_711 : memref<64x256xf32, #tpu.memory_space<vmem>>) dst(%dma_wait3A_707 : memref<64x256xf32, #tpu.memory_space<hbm>>)
    %dma_start3A_712 = arith.constant 5 : i32
    %dma_start3A_713 = arith.constant 0 : i32
    %dma_start3A_714 = arith.constant 0 : i32
    %dma_start3A_715 = tpu.memref_slice %arg6[%dma_start3A_712, %dma_start3A_713, %dma_start3A_714] : memref<6x64x256xf32, #tpu.memory_space<vmem>> -> memref<1x64x256xf32, #tpu.memory_space<vmem>>
    %dma_start3A_716 = tpu.memref_squeeze %dma_start3A_715 : memref<1x64x256xf32, #tpu.memory_space<vmem>> -> memref<64x256xf32, #tpu.memory_space<vmem>>
    %dma_start3A_717 = arith.constant 192 : i32
    %dma_start3A_718 = arith.constant 0 : i32
    %dma_start3A_719 = tpu.memref_slice %arg2[%squeeze3A_20, %dma_start3A_717, %dma_start3A_718] : memref<16x256x256xf32, #tpu.memory_space<hbm>> -> memref<1x64x256xf32, #tpu.memory_space<hbm>>
    %dma_start3A_720 = tpu.memref_squeeze %dma_start3A_719 : memref<1x64x256xf32, #tpu.memory_space<hbm>> -> memref<64x256xf32, #tpu.memory_space<hbm>>
    %dma_start3A_721 = arith.constant 0 : i32
    %dma_start3A_722 = arith.constant 0 : i32
    %dma_start3A_723 = tpu.memref_slice %arg6[%dma_start3A_712, %dma_start3A_721, %dma_start3A_722] : memref<6x64x256xf32, #tpu.memory_space<vmem>> -> memref<1x64x256xf32, #tpu.memory_space<vmem>>
    %dma_start3A_724 = tpu.memref_squeeze %dma_start3A_723 : memref<1x64x256xf32, #tpu.memory_space<vmem>> -> memref<64x256xf32, #tpu.memory_space<vmem>>
    %dma_start3A_725 = arith.constant 192 : i32
    %dma_start3A_726 = arith.constant 0 : i32
    %dma_start3A_727 = tpu.memref_slice %arg2[%squeeze3A_20, %dma_start3A_725, %dma_start3A_726] : memref<16x256x256xf32, #tpu.memory_space<hbm>> -> memref<1x64x256xf32, #tpu.memory_space<hbm>>
    %dma_start3A_728 = tpu.memref_squeeze %dma_start3A_727 : memref<1x64x256xf32, #tpu.memory_space<hbm>> -> memref<64x256xf32, #tpu.memory_space<hbm>>
    tpu.enqueue_dma source(%dma_start3A_728 : memref<64x256xf32, #tpu.memory_space<hbm>>) target(%dma_start3A_724 : memref<64x256xf32, #tpu.memory_space<vmem>>) target_semaphore(%arg12 : memref<!tpu.dma_semaphore, #tpu.memory_space<semaphore_mem>>)
    %mul3A_729 = arith.constant 4 : i32
    %mul3A_730 = arith.muli %add3A, %mul3A_729 : i32
    %add3A_731 = arith.constant 2 : i32
    %add3A_732 = arith.addi %mul3A_730, %add3A_731 : i32
    %dma_wait3A_733 = arith.constant 4 : i32
    %dma_wait3A_734 = arith.constant 0 : i32
    %dma_wait3A_735 = arith.constant 0 : i32
    %dma_wait3A_736 = tpu.memref_slice %arg6[%dma_wait3A_733, %dma_wait3A_734, %dma_wait3A_735] : memref<6x64x256xf32, #tpu.memory_space<vmem>> -> memref<1x64x256xf32, #tpu.memory_space<vmem>>
    %dma_wait3A_737 = tpu.memref_squeeze %dma_wait3A_736 : memref<1x64x256xf32, #tpu.memory_space<vmem>> -> memref<64x256xf32, #tpu.memory_space<vmem>>
    %dma_wait3A_738 = arith.constant 128 : i32
    %dma_wait3A_739 = arith.constant 0 : i32
    %dma_wait3A_740 = tpu.memref_slice %arg2[%squeeze3A_20, %dma_wait3A_738, %dma_wait3A_739] : memref<16x256x256xf32, #tpu.memory_space<hbm>> -> memref<1x64x256xf32, #tpu.memory_space<hbm>>
    %dma_wait3A_741 = tpu.memref_squeeze %dma_wait3A_740 : memref<1x64x256xf32, #tpu.memory_space<hbm>> -> memref<64x256xf32, #tpu.memory_space<hbm>>
    %dma_wait3A_742 = arith.constant 0 : i32
    %dma_wait3A_743 = arith.constant 0 : i32
    %dma_wait3A_744 = tpu.memref_slice %arg6[%dma_wait3A_733, %dma_wait3A_742, %dma_wait3A_743] : memref<6x64x256xf32, #tpu.memory_space<vmem>> -> memref<1x64x256xf32, #tpu.memory_space<vmem>>
    %dma_wait3A_745 = tpu.memref_squeeze %dma_wait3A_744 : memref<1x64x256xf32, #tpu.memory_space<vmem>> -> memref<64x256xf32, #tpu.memory_space<vmem>>
    %dma_wait3A_746 = arith.constant 128 : i32
    %dma_wait3A_747 = arith.constant 0 : i32
    %dma_wait3A_748 = tpu.memref_slice %arg2[%squeeze3A_20, %dma_wait3A_746, %dma_wait3A_747] : memref<16x256x256xf32, #tpu.memory_space<hbm>> -> memref<1x64x256xf32, #tpu.memory_space<hbm>>
    %dma_wait3A_749 = tpu.memref_squeeze %dma_wait3A_748 : memref<1x64x256xf32, #tpu.memory_space<hbm>> -> memref<64x256xf32, #tpu.memory_space<hbm>>
    tpu.wait_dma2 semaphore(%arg11 : memref<!tpu.dma_semaphore, #tpu.memory_space<semaphore_mem>>) src(%dma_wait3A_749 : memref<64x256xf32, #tpu.memory_space<hbm>>) dst(%dma_wait3A_745 : memref<64x256xf32, #tpu.memory_space<vmem>>)
    %dma_start3A_750 = arith.constant 4 : i32
    %dma_start3A_751 = arith.constant 0 : i32
    %dma_start3A_752 = arith.constant 0 : i32
    %dma_start3A_753 = arith.constant 0 : i32
    %dma_start3A_754 = tpu.memref_slice %arg6[%dma_start3A_750, %dma_start3A_752, %dma_start3A_753] : memref<6x64x256xf32, #tpu.memory_space<vmem>> -> memref<1x64x256xf32, #tpu.memory_space<vmem>>
    %dma_start3A_755 = tpu.memref_squeeze %dma_start3A_754 : memref<1x64x256xf32, #tpu.memory_space<vmem>> -> memref<64x256xf32, #tpu.memory_space<vmem>>
    %dma_start3A_756 = arith.constant 128 : i32
    %dma_start3A_757 = arith.constant 0 : i32
    %dma_start3A_758 = tpu.memref_slice %arg4[%add3A_732, %dma_start3A_751, %dma_start3A_756, %dma_start3A_757] : memref<128x1x256x256xf32, #tpu.memory_space<hbm>> -> memref<1x1x64x256xf32, #tpu.memory_space<hbm>>
    %dma_start3A_759 = tpu.memref_squeeze %dma_start3A_758 : memref<1x1x64x256xf32, #tpu.memory_space<hbm>> -> memref<64x256xf32, #tpu.memory_space<hbm>>
    %dma_start3A_760 = arith.constant 128 : i32
    %dma_start3A_761 = arith.constant 0 : i32
    %dma_start3A_762 = tpu.memref_slice %arg4[%add3A_732, %dma_start3A_751, %dma_start3A_760, %dma_start3A_761] : memref<128x1x256x256xf32, #tpu.memory_space<hbm>> -> memref<1x1x64x256xf32, #tpu.memory_space<hbm>>
    %dma_start3A_763 = tpu.memref_squeeze %dma_start3A_762 : memref<1x1x64x256xf32, #tpu.memory_space<hbm>> -> memref<64x256xf32, #tpu.memory_space<hbm>>
    %dma_start3A_764 = arith.constant 0 : i32
    %dma_start3A_765 = arith.constant 0 : i32
    %dma_start3A_766 = tpu.memref_slice %arg6[%dma_start3A_750, %dma_start3A_764, %dma_start3A_765] : memref<6x64x256xf32, #tpu.memory_space<vmem>> -> memref<1x64x256xf32, #tpu.memory_space<vmem>>
    %dma_start3A_767 = tpu.memref_squeeze %dma_start3A_766 : memref<1x64x256xf32, #tpu.memory_space<vmem>> -> memref<64x256xf32, #tpu.memory_space<vmem>>
    tpu.enqueue_dma source(%dma_start3A_767 : memref<64x256xf32, #tpu.memory_space<vmem>>) target(%dma_start3A_763 : memref<64x256xf32, #tpu.memory_space<hbm>>) target_semaphore(%arg17 : memref<!tpu.dma_semaphore, #tpu.memory_space<semaphore_mem>>)
    %dma_wait3A_768 = arith.constant 0 : i32
    %dma_wait3A_769 = arith.constant 0 : i32
    %dma_wait3A_770 = arith.constant 0 : i32
    %dma_wait3A_771 = arith.constant 0 : i32
    %dma_wait3A_772 = tpu.memref_slice %arg6[%dma_wait3A_768, %dma_wait3A_770, %dma_wait3A_771] : memref<6x64x256xf32, #tpu.memory_space<vmem>> -> memref<1x64x256xf32, #tpu.memory_space<vmem>>
    %dma_wait3A_773 = tpu.memref_squeeze %dma_wait3A_772 : memref<1x64x256xf32, #tpu.memory_space<vmem>> -> memref<64x256xf32, #tpu.memory_space<vmem>>
    %dma_wait3A_774 = arith.constant 128 : i32
    %dma_wait3A_775 = arith.constant 0 : i32
    %dma_wait3A_776 = tpu.memref_slice %arg4[%add3A_436, %dma_wait3A_769, %dma_wait3A_774, %dma_wait3A_775] : memref<128x1x256x256xf32, #tpu.memory_space<hbm>> -> memref<1x1x64x256xf32, #tpu.memory_space<hbm>>
    %dma_wait3A_777 = tpu.memref_squeeze %dma_wait3A_776 : memref<1x1x64x256xf32, #tpu.memory_space<hbm>> -> memref<64x256xf32, #tpu.memory_space<hbm>>
    %dma_wait3A_778 = arith.constant 128 : i32
    %dma_wait3A_779 = arith.constant 0 : i32
    %dma_wait3A_780 = tpu.memref_slice %arg4[%add3A_436, %dma_wait3A_769, %dma_wait3A_778, %dma_wait3A_779] : memref<128x1x256x256xf32, #tpu.memory_space<hbm>> -> memref<1x1x64x256xf32, #tpu.memory_space<hbm>>
    %dma_wait3A_781 = tpu.memref_squeeze %dma_wait3A_780 : memref<1x1x64x256xf32, #tpu.memory_space<hbm>> -> memref<64x256xf32, #tpu.memory_space<hbm>>
    %dma_wait3A_782 = arith.constant 0 : i32
    %dma_wait3A_783 = arith.constant 0 : i32
    %dma_wait3A_784 = tpu.memref_slice %arg6[%dma_wait3A_768, %dma_wait3A_782, %dma_wait3A_783] : memref<6x64x256xf32, #tpu.memory_space<vmem>> -> memref<1x64x256xf32, #tpu.memory_space<vmem>>
    %dma_wait3A_785 = tpu.memref_squeeze %dma_wait3A_784 : memref<1x64x256xf32, #tpu.memory_space<vmem>> -> memref<64x256xf32, #tpu.memory_space<vmem>>
    tpu.wait_dma2 semaphore(%arg13 : memref<!tpu.dma_semaphore, #tpu.memory_space<semaphore_mem>>) src(%dma_wait3A_785 : memref<64x256xf32, #tpu.memory_space<vmem>>) dst(%dma_wait3A_781 : memref<64x256xf32, #tpu.memory_space<hbm>>)
    %dma_start3A_786 = arith.constant 0 : i32
    %dma_start3A_787 = arith.constant 0 : i32
    %dma_start3A_788 = arith.constant 0 : i32
    %dma_start3A_789 = tpu.memref_slice %arg6[%dma_start3A_786, %dma_start3A_787, %dma_start3A_788] : memref<6x64x256xf32, #tpu.memory_space<vmem>> -> memref<1x64x256xf32, #tpu.memory_space<vmem>>
    %dma_start3A_790 = tpu.memref_squeeze %dma_start3A_789 : memref<1x64x256xf32, #tpu.memory_space<vmem>> -> memref<64x256xf32, #tpu.memory_space<vmem>>
    %dma_start3A_791 = arith.constant 0 : i32
    %dma_start3A_792 = arith.constant 0 : i32
    %dma_start3A_793 = tpu.memref_slice %arg2[%squeeze3A_28, %dma_start3A_791, %dma_start3A_792] : memref<16x256x256xf32, #tpu.memory_space<hbm>> -> memref<1x64x256xf32, #tpu.memory_space<hbm>>
    %dma_start3A_794 = tpu.memref_squeeze %dma_start3A_793 : memref<1x64x256xf32, #tpu.memory_space<hbm>> -> memref<64x256xf32, #tpu.memory_space<hbm>>
    %dma_start3A_795 = arith.constant 0 : i32
    %dma_start3A_796 = arith.constant 0 : i32
    %dma_start3A_797 = tpu.memref_slice %arg6[%dma_start3A_786, %dma_start3A_795, %dma_start3A_796] : memref<6x64x256xf32, #tpu.memory_space<vmem>> -> memref<1x64x256xf32, #tpu.memory_space<vmem>>
    %dma_start3A_798 = tpu.memref_squeeze %dma_start3A_797 : memref<1x64x256xf32, #tpu.memory_space<vmem>> -> memref<64x256xf32, #tpu.memory_space<vmem>>
    %dma_start3A_799 = arith.constant 0 : i32
    %dma_start3A_800 = arith.constant 0 : i32
    %dma_start3A_801 = tpu.memref_slice %arg2[%squeeze3A_28, %dma_start3A_799, %dma_start3A_800] : memref<16x256x256xf32, #tpu.memory_space<hbm>> -> memref<1x64x256xf32, #tpu.memory_space<hbm>>
    %dma_start3A_802 = tpu.memref_squeeze %dma_start3A_801 : memref<1x64x256xf32, #tpu.memory_space<hbm>> -> memref<64x256xf32, #tpu.memory_space<hbm>>
    tpu.enqueue_dma source(%dma_start3A_802 : memref<64x256xf32, #tpu.memory_space<hbm>>) target(%dma_start3A_798 : memref<64x256xf32, #tpu.memory_space<vmem>>) target_semaphore(%arg7 : memref<!tpu.dma_semaphore, #tpu.memory_space<semaphore_mem>>)
    %mul3A_803 = arith.constant 4 : i32
    %mul3A_804 = arith.muli %add3A, %mul3A_803 : i32
    %add3A_805 = arith.constant 2 : i32
    %add3A_806 = arith.addi %mul3A_804, %add3A_805 : i32
    %dma_wait3A_807 = arith.constant 5 : i32
    %dma_wait3A_808 = arith.constant 0 : i32
    %dma_wait3A_809 = arith.constant 0 : i32
    %dma_wait3A_810 = tpu.memref_slice %arg6[%dma_wait3A_807, %dma_wait3A_808, %dma_wait3A_809] : memref<6x64x256xf32, #tpu.memory_space<vmem>> -> memref<1x64x256xf32, #tpu.memory_space<vmem>>
    %dma_wait3A_811 = tpu.memref_squeeze %dma_wait3A_810 : memref<1x64x256xf32, #tpu.memory_space<vmem>> -> memref<64x256xf32, #tpu.memory_space<vmem>>
    %dma_wait3A_812 = arith.constant 192 : i32
    %dma_wait3A_813 = arith.constant 0 : i32
    %dma_wait3A_814 = tpu.memref_slice %arg2[%squeeze3A_20, %dma_wait3A_812, %dma_wait3A_813] : memref<16x256x256xf32, #tpu.memory_space<hbm>> -> memref<1x64x256xf32, #tpu.memory_space<hbm>>
    %dma_wait3A_815 = tpu.memref_squeeze %dma_wait3A_814 : memref<1x64x256xf32, #tpu.memory_space<hbm>> -> memref<64x256xf32, #tpu.memory_space<hbm>>
    %dma_wait3A_816 = arith.constant 0 : i32
    %dma_wait3A_817 = arith.constant 0 : i32
    %dma_wait3A_818 = tpu.memref_slice %arg6[%dma_wait3A_807, %dma_wait3A_816, %dma_wait3A_817] : memref<6x64x256xf32, #tpu.memory_space<vmem>> -> memref<1x64x256xf32, #tpu.memory_space<vmem>>
    %dma_wait3A_819 = tpu.memref_squeeze %dma_wait3A_818 : memref<1x64x256xf32, #tpu.memory_space<vmem>> -> memref<64x256xf32, #tpu.memory_space<vmem>>
    %dma_wait3A_820 = arith.constant 192 : i32
    %dma_wait3A_821 = arith.constant 0 : i32
    %dma_wait3A_822 = tpu.memref_slice %arg2[%squeeze3A_20, %dma_wait3A_820, %dma_wait3A_821] : memref<16x256x256xf32, #tpu.memory_space<hbm>> -> memref<1x64x256xf32, #tpu.memory_space<hbm>>
    %dma_wait3A_823 = tpu.memref_squeeze %dma_wait3A_822 : memref<1x64x256xf32, #tpu.memory_space<hbm>> -> memref<64x256xf32, #tpu.memory_space<hbm>>
    tpu.wait_dma2 semaphore(%arg12 : memref<!tpu.dma_semaphore, #tpu.memory_space<semaphore_mem>>) src(%dma_wait3A_823 : memref<64x256xf32, #tpu.memory_space<hbm>>) dst(%dma_wait3A_819 : memref<64x256xf32, #tpu.memory_space<vmem>>)
    %dma_start3A_824 = arith.constant 5 : i32
    %dma_start3A_825 = arith.constant 0 : i32
    %dma_start3A_826 = arith.constant 0 : i32
    %dma_start3A_827 = arith.constant 0 : i32
    %dma_start3A_828 = tpu.memref_slice %arg6[%dma_start3A_824, %dma_start3A_826, %dma_start3A_827] : memref<6x64x256xf32, #tpu.memory_space<vmem>> -> memref<1x64x256xf32, #tpu.memory_space<vmem>>
    %dma_start3A_829 = tpu.memref_squeeze %dma_start3A_828 : memref<1x64x256xf32, #tpu.memory_space<vmem>> -> memref<64x256xf32, #tpu.memory_space<vmem>>
    %dma_start3A_830 = arith.constant 192 : i32
    %dma_start3A_831 = arith.constant 0 : i32
    %dma_start3A_832 = tpu.memref_slice %arg4[%add3A_806, %dma_start3A_825, %dma_start3A_830, %dma_start3A_831] : memref<128x1x256x256xf32, #tpu.memory_space<hbm>> -> memref<1x1x64x256xf32, #tpu.memory_space<hbm>>
    %dma_start3A_833 = tpu.memref_squeeze %dma_start3A_832 : memref<1x1x64x256xf32, #tpu.memory_space<hbm>> -> memref<64x256xf32, #tpu.memory_space<hbm>>
    %dma_start3A_834 = arith.constant 192 : i32
    %dma_start3A_835 = arith.constant 0 : i32
    %dma_start3A_836 = tpu.memref_slice %arg4[%add3A_806, %dma_start3A_825, %dma_start3A_834, %dma_start3A_835] : memref<128x1x256x256xf32, #tpu.memory_space<hbm>> -> memref<1x1x64x256xf32, #tpu.memory_space<hbm>>
    %dma_start3A_837 = tpu.memref_squeeze %dma_start3A_836 : memref<1x1x64x256xf32, #tpu.memory_space<hbm>> -> memref<64x256xf32, #tpu.memory_space<hbm>>
    %dma_start3A_838 = arith.constant 0 : i32
    %dma_start3A_839 = arith.constant 0 : i32
    %dma_start3A_840 = tpu.memref_slice %arg6[%dma_start3A_824, %dma_start3A_838, %dma_start3A_839] : memref<6x64x256xf32, #tpu.memory_space<vmem>> -> memref<1x64x256xf32, #tpu.memory_space<vmem>>
    %dma_start3A_841 = tpu.memref_squeeze %dma_start3A_840 : memref<1x64x256xf32, #tpu.memory_space<vmem>> -> memref<64x256xf32, #tpu.memory_space<vmem>>
    tpu.enqueue_dma source(%dma_start3A_841 : memref<64x256xf32, #tpu.memory_space<vmem>>) target(%dma_start3A_837 : memref<64x256xf32, #tpu.memory_space<hbm>>) target_semaphore(%arg18 : memref<!tpu.dma_semaphore, #tpu.memory_space<semaphore_mem>>)
    %dma_wait3A_842 = arith.constant 1 : i32
    %dma_wait3A_843 = arith.constant 0 : i32
    %dma_wait3A_844 = arith.constant 0 : i32
    %dma_wait3A_845 = arith.constant 0 : i32
    %dma_wait3A_846 = tpu.memref_slice %arg6[%dma_wait3A_842, %dma_wait3A_844, %dma_wait3A_845] : memref<6x64x256xf32, #tpu.memory_space<vmem>> -> memref<1x64x256xf32, #tpu.memory_space<vmem>>
    %dma_wait3A_847 = tpu.memref_squeeze %dma_wait3A_846 : memref<1x64x256xf32, #tpu.memory_space<vmem>> -> memref<64x256xf32, #tpu.memory_space<vmem>>
    %dma_wait3A_848 = arith.constant 192 : i32
    %dma_wait3A_849 = arith.constant 0 : i32
    %dma_wait3A_850 = tpu.memref_slice %arg4[%add3A_510, %dma_wait3A_843, %dma_wait3A_848, %dma_wait3A_849] : memref<128x1x256x256xf32, #tpu.memory_space<hbm>> -> memref<1x1x64x256xf32, #tpu.memory_space<hbm>>
    %dma_wait3A_851 = tpu.memref_squeeze %dma_wait3A_850 : memref<1x1x64x256xf32, #tpu.memory_space<hbm>> -> memref<64x256xf32, #tpu.memory_space<hbm>>
    %dma_wait3A_852 = arith.constant 192 : i32
    %dma_wait3A_853 = arith.constant 0 : i32
    %dma_wait3A_854 = tpu.memref_slice %arg4[%add3A_510, %dma_wait3A_843, %dma_wait3A_852, %dma_wait3A_853] : memref<128x1x256x256xf32, #tpu.memory_space<hbm>> -> memref<1x1x64x256xf32, #tpu.memory_space<hbm>>
    %dma_wait3A_855 = tpu.memref_squeeze %dma_wait3A_854 : memref<1x1x64x256xf32, #tpu.memory_space<hbm>> -> memref<64x256xf32, #tpu.memory_space<hbm>>
    %dma_wait3A_856 = arith.constant 0 : i32
    %dma_wait3A_857 = arith.constant 0 : i32
    %dma_wait3A_858 = tpu.memref_slice %arg6[%dma_wait3A_842, %dma_wait3A_856, %dma_wait3A_857] : memref<6x64x256xf32, #tpu.memory_space<vmem>> -> memref<1x64x256xf32, #tpu.memory_space<vmem>>
    %dma_wait3A_859 = tpu.memref_squeeze %dma_wait3A_858 : memref<1x64x256xf32, #tpu.memory_space<vmem>> -> memref<64x256xf32, #tpu.memory_space<vmem>>
    tpu.wait_dma2 semaphore(%arg14 : memref<!tpu.dma_semaphore, #tpu.memory_space<semaphore_mem>>) src(%dma_wait3A_859 : memref<64x256xf32, #tpu.memory_space<vmem>>) dst(%dma_wait3A_855 : memref<64x256xf32, #tpu.memory_space<hbm>>)
    %dma_start3A_860 = arith.constant 1 : i32
    %dma_start3A_861 = arith.constant 0 : i32
    %dma_start3A_862 = arith.constant 0 : i32
    %dma_start3A_863 = tpu.memref_slice %arg6[%dma_start3A_860, %dma_start3A_861, %dma_start3A_862] : memref<6x64x256xf32, #tpu.memory_space<vmem>> -> memref<1x64x256xf32, #tpu.memory_space<vmem>>
    %dma_start3A_864 = tpu.memref_squeeze %dma_start3A_863 : memref<1x64x256xf32, #tpu.memory_space<vmem>> -> memref<64x256xf32, #tpu.memory_space<vmem>>
    %dma_start3A_865 = arith.constant 64 : i32
    %dma_start3A_866 = arith.constant 0 : i32
    %dma_start3A_867 = tpu.memref_slice %arg2[%squeeze3A_28, %dma_start3A_865, %dma_start3A_866] : memref<16x256x256xf32, #tpu.memory_space<hbm>> -> memref<1x64x256xf32, #tpu.memory_space<hbm>>
    %dma_start3A_868 = tpu.memref_squeeze %dma_start3A_867 : memref<1x64x256xf32, #tpu.memory_space<hbm>> -> memref<64x256xf32, #tpu.memory_space<hbm>>
    %dma_start3A_869 = arith.constant 0 : i32
    %dma_start3A_870 = arith.constant 0 : i32
    %dma_start3A_871 = tpu.memref_slice %arg6[%dma_start3A_860, %dma_start3A_869, %dma_start3A_870] : memref<6x64x256xf32, #tpu.memory_space<vmem>> -> memref<1x64x256xf32, #tpu.memory_space<vmem>>
    %dma_start3A_872 = tpu.memref_squeeze %dma_start3A_871 : memref<1x64x256xf32, #tpu.memory_space<vmem>> -> memref<64x256xf32, #tpu.memory_space<vmem>>
    %dma_start3A_873 = arith.constant 64 : i32
    %dma_start3A_874 = arith.constant 0 : i32
    %dma_start3A_875 = tpu.memref_slice %arg2[%squeeze3A_28, %dma_start3A_873, %dma_start3A_874] : memref<16x256x256xf32, #tpu.memory_space<hbm>> -> memref<1x64x256xf32, #tpu.memory_space<hbm>>
    %dma_start3A_876 = tpu.memref_squeeze %dma_start3A_875 : memref<1x64x256xf32, #tpu.memory_space<hbm>> -> memref<64x256xf32, #tpu.memory_space<hbm>>
    tpu.enqueue_dma source(%dma_start3A_876 : memref<64x256xf32, #tpu.memory_space<hbm>>) target(%dma_start3A_872 : memref<64x256xf32, #tpu.memory_space<vmem>>) target_semaphore(%arg8 : memref<!tpu.dma_semaphore, #tpu.memory_space<semaphore_mem>>)
    %mul3A_877 = arith.constant 4 : i32
    %mul3A_878 = arith.muli %add3A, %mul3A_877 : i32
    %add3A_879 = arith.constant 3 : i32
    %add3A_880 = arith.addi %mul3A_878, %add3A_879 : i32
    %dma_wait3A_881 = arith.constant 0 : i32
    %dma_wait3A_882 = arith.constant 0 : i32
    %dma_wait3A_883 = arith.constant 0 : i32
    %dma_wait3A_884 = tpu.memref_slice %arg6[%dma_wait3A_881, %dma_wait3A_882, %dma_wait3A_883] : memref<6x64x256xf32, #tpu.memory_space<vmem>> -> memref<1x64x256xf32, #tpu.memory_space<vmem>>
    %dma_wait3A_885 = tpu.memref_squeeze %dma_wait3A_884 : memref<1x64x256xf32, #tpu.memory_space<vmem>> -> memref<64x256xf32, #tpu.memory_space<vmem>>
    %dma_wait3A_886 = arith.constant 0 : i32
    %dma_wait3A_887 = arith.constant 0 : i32
    %dma_wait3A_888 = tpu.memref_slice %arg2[%squeeze3A_28, %dma_wait3A_886, %dma_wait3A_887] : memref<16x256x256xf32, #tpu.memory_space<hbm>> -> memref<1x64x256xf32, #tpu.memory_space<hbm>>
    %dma_wait3A_889 = tpu.memref_squeeze %dma_wait3A_888 : memref<1x64x256xf32, #tpu.memory_space<hbm>> -> memref<64x256xf32, #tpu.memory_space<hbm>>
    %dma_wait3A_890 = arith.constant 0 : i32
    %dma_wait3A_891 = arith.constant 0 : i32
    %dma_wait3A_892 = tpu.memref_slice %arg6[%dma_wait3A_881, %dma_wait3A_890, %dma_wait3A_891] : memref<6x64x256xf32, #tpu.memory_space<vmem>> -> memref<1x64x256xf32, #tpu.memory_space<vmem>>
    %dma_wait3A_893 = tpu.memref_squeeze %dma_wait3A_892 : memref<1x64x256xf32, #tpu.memory_space<vmem>> -> memref<64x256xf32, #tpu.memory_space<vmem>>
    %dma_wait3A_894 = arith.constant 0 : i32
    %dma_wait3A_895 = arith.constant 0 : i32
    %dma_wait3A_896 = tpu.memref_slice %arg2[%squeeze3A_28, %dma_wait3A_894, %dma_wait3A_895] : memref<16x256x256xf32, #tpu.memory_space<hbm>> -> memref<1x64x256xf32, #tpu.memory_space<hbm>>
    %dma_wait3A_897 = tpu.memref_squeeze %dma_wait3A_896 : memref<1x64x256xf32, #tpu.memory_space<hbm>> -> memref<64x256xf32, #tpu.memory_space<hbm>>
    tpu.wait_dma2 semaphore(%arg7 : memref<!tpu.dma_semaphore, #tpu.memory_space<semaphore_mem>>) src(%dma_wait3A_897 : memref<64x256xf32, #tpu.memory_space<hbm>>) dst(%dma_wait3A_893 : memref<64x256xf32, #tpu.memory_space<vmem>>)
    %dma_start3A_898 = arith.constant 0 : i32
    %dma_start3A_899 = arith.constant 0 : i32
    %dma_start3A_900 = arith.constant 0 : i32
    %dma_start3A_901 = arith.constant 0 : i32
    %dma_start3A_902 = tpu.memref_slice %arg6[%dma_start3A_898, %dma_start3A_900, %dma_start3A_901] : memref<6x64x256xf32, #tpu.memory_space<vmem>> -> memref<1x64x256xf32, #tpu.memory_space<vmem>>
    %dma_start3A_903 = tpu.memref_squeeze %dma_start3A_902 : memref<1x64x256xf32, #tpu.memory_space<vmem>> -> memref<64x256xf32, #tpu.memory_space<vmem>>
    %dma_start3A_904 = arith.constant 0 : i32
    %dma_start3A_905 = arith.constant 0 : i32
    %dma_start3A_906 = tpu.memref_slice %arg4[%add3A_880, %dma_start3A_899, %dma_start3A_904, %dma_start3A_905] : memref<128x1x256x256xf32, #tpu.memory_space<hbm>> -> memref<1x1x64x256xf32, #tpu.memory_space<hbm>>
    %dma_start3A_907 = tpu.memref_squeeze %dma_start3A_906 : memref<1x1x64x256xf32, #tpu.memory_space<hbm>> -> memref<64x256xf32, #tpu.memory_space<hbm>>
    %dma_start3A_908 = arith.constant 0 : i32
    %dma_start3A_909 = arith.constant 0 : i32
    %dma_start3A_910 = tpu.memref_slice %arg4[%add3A_880, %dma_start3A_899, %dma_start3A_908, %dma_start3A_909] : memref<128x1x256x256xf32, #tpu.memory_space<hbm>> -> memref<1x1x64x256xf32, #tpu.memory_space<hbm>>
    %dma_start3A_911 = tpu.memref_squeeze %dma_start3A_910 : memref<1x1x64x256xf32, #tpu.memory_space<hbm>> -> memref<64x256xf32, #tpu.memory_space<hbm>>
    %dma_start3A_912 = arith.constant 0 : i32
    %dma_start3A_913 = arith.constant 0 : i32
    %dma_start3A_914 = tpu.memref_slice %arg6[%dma_start3A_898, %dma_start3A_912, %dma_start3A_913] : memref<6x64x256xf32, #tpu.memory_space<vmem>> -> memref<1x64x256xf32, #tpu.memory_space<vmem>>
    %dma_start3A_915 = tpu.memref_squeeze %dma_start3A_914 : memref<1x64x256xf32, #tpu.memory_space<vmem>> -> memref<64x256xf32, #tpu.memory_space<vmem>>
    tpu.enqueue_dma source(%dma_start3A_915 : memref<64x256xf32, #tpu.memory_space<vmem>>) target(%dma_start3A_911 : memref<64x256xf32, #tpu.memory_space<hbm>>) target_semaphore(%arg13 : memref<!tpu.dma_semaphore, #tpu.memory_space<semaphore_mem>>)
    %dma_wait3A_916 = arith.constant 2 : i32
    %dma_wait3A_917 = arith.constant 0 : i32
    %dma_wait3A_918 = arith.constant 0 : i32
    %dma_wait3A_919 = arith.constant 0 : i32
    %dma_wait3A_920 = tpu.memref_slice %arg6[%dma_wait3A_916, %dma_wait3A_918, %dma_wait3A_919] : memref<6x64x256xf32, #tpu.memory_space<vmem>> -> memref<1x64x256xf32, #tpu.memory_space<vmem>>
    %dma_wait3A_921 = tpu.memref_squeeze %dma_wait3A_920 : memref<1x64x256xf32, #tpu.memory_space<vmem>> -> memref<64x256xf32, #tpu.memory_space<vmem>>
    %dma_wait3A_922 = arith.constant 0 : i32
    %dma_wait3A_923 = arith.constant 0 : i32
    %dma_wait3A_924 = tpu.memref_slice %arg4[%add3A_584, %dma_wait3A_917, %dma_wait3A_922, %dma_wait3A_923] : memref<128x1x256x256xf32, #tpu.memory_space<hbm>> -> memref<1x1x64x256xf32, #tpu.memory_space<hbm>>
    %dma_wait3A_925 = tpu.memref_squeeze %dma_wait3A_924 : memref<1x1x64x256xf32, #tpu.memory_space<hbm>> -> memref<64x256xf32, #tpu.memory_space<hbm>>
    %dma_wait3A_926 = arith.constant 0 : i32
    %dma_wait3A_927 = arith.constant 0 : i32
    %dma_wait3A_928 = tpu.memref_slice %arg4[%add3A_584, %dma_wait3A_917, %dma_wait3A_926, %dma_wait3A_927] : memref<128x1x256x256xf32, #tpu.memory_space<hbm>> -> memref<1x1x64x256xf32, #tpu.memory_space<hbm>>
    %dma_wait3A_929 = tpu.memref_squeeze %dma_wait3A_928 : memref<1x1x64x256xf32, #tpu.memory_space<hbm>> -> memref<64x256xf32, #tpu.memory_space<hbm>>
    %dma_wait3A_930 = arith.constant 0 : i32
    %dma_wait3A_931 = arith.constant 0 : i32
    %dma_wait3A_932 = tpu.memref_slice %arg6[%dma_wait3A_916, %dma_wait3A_930, %dma_wait3A_931] : memref<6x64x256xf32, #tpu.memory_space<vmem>> -> memref<1x64x256xf32, #tpu.memory_space<vmem>>
    %dma_wait3A_933 = tpu.memref_squeeze %dma_wait3A_932 : memref<1x64x256xf32, #tpu.memory_space<vmem>> -> memref<64x256xf32, #tpu.memory_space<vmem>>
    tpu.wait_dma2 semaphore(%arg15 : memref<!tpu.dma_semaphore, #tpu.memory_space<semaphore_mem>>) src(%dma_wait3A_933 : memref<64x256xf32, #tpu.memory_space<vmem>>) dst(%dma_wait3A_929 : memref<64x256xf32, #tpu.memory_space<hbm>>)
    %dma_start3A_934 = arith.constant 2 : i32
    %dma_start3A_935 = arith.constant 0 : i32
    %dma_start3A_936 = arith.constant 0 : i32
    %dma_start3A_937 = tpu.memref_slice %arg6[%dma_start3A_934, %dma_start3A_935, %dma_start3A_936] : memref<6x64x256xf32, #tpu.memory_space<vmem>> -> memref<1x64x256xf32, #tpu.memory_space<vmem>>
    %dma_start3A_938 = tpu.memref_squeeze %dma_start3A_937 : memref<1x64x256xf32, #tpu.memory_space<vmem>> -> memref<64x256xf32, #tpu.memory_space<vmem>>
    %dma_start3A_939 = arith.constant 128 : i32
    %dma_start3A_940 = arith.constant 0 : i32
    %dma_start3A_941 = tpu.memref_slice %arg2[%squeeze3A_28, %dma_start3A_939, %dma_start3A_940] : memref<16x256x256xf32, #tpu.memory_space<hbm>> -> memref<1x64x256xf32, #tpu.memory_space<hbm>>
    %dma_start3A_942 = tpu.memref_squeeze %dma_start3A_941 : memref<1x64x256xf32, #tpu.memory_space<hbm>> -> memref<64x256xf32, #tpu.memory_space<hbm>>
    %dma_start3A_943 = arith.constant 0 : i32
    %dma_start3A_944 = arith.constant 0 : i32
    %dma_start3A_945 = tpu.memref_slice %arg6[%dma_start3A_934, %dma_start3A_943, %dma_start3A_944] : memref<6x64x256xf32, #tpu.memory_space<vmem>> -> memref<1x64x256xf32, #tpu.memory_space<vmem>>
    %dma_start3A_946 = tpu.memref_squeeze %dma_start3A_945 : memref<1x64x256xf32, #tpu.memory_space<vmem>> -> memref<64x256xf32, #tpu.memory_space<vmem>>
    %dma_start3A_947 = arith.constant 128 : i32
    %dma_start3A_948 = arith.constant 0 : i32
    %dma_start3A_949 = tpu.memref_slice %arg2[%squeeze3A_28, %dma_start3A_947, %dma_start3A_948] : memref<16x256x256xf32, #tpu.memory_space<hbm>> -> memref<1x64x256xf32, #tpu.memory_space<hbm>>
    %dma_start3A_950 = tpu.memref_squeeze %dma_start3A_949 : memref<1x64x256xf32, #tpu.memory_space<hbm>> -> memref<64x256xf32, #tpu.memory_space<hbm>>
    tpu.enqueue_dma source(%dma_start3A_950 : memref<64x256xf32, #tpu.memory_space<hbm>>) target(%dma_start3A_946 : memref<64x256xf32, #tpu.memory_space<vmem>>) target_semaphore(%arg9 : memref<!tpu.dma_semaphore, #tpu.memory_space<semaphore_mem>>)
    %mul3A_951 = arith.constant 4 : i32
    %mul3A_952 = arith.muli %add3A, %mul3A_951 : i32
    %add3A_953 = arith.constant 3 : i32
    %add3A_954 = arith.addi %mul3A_952, %add3A_953 : i32
    %dma_wait3A_955 = arith.constant 1 : i32
    %dma_wait3A_956 = arith.constant 0 : i32
    %dma_wait3A_957 = arith.constant 0 : i32
    %dma_wait3A_958 = tpu.memref_slice %arg6[%dma_wait3A_955, %dma_wait3A_956, %dma_wait3A_957] : memref<6x64x256xf32, #tpu.memory_space<vmem>> -> memref<1x64x256xf32, #tpu.memory_space<vmem>>
    %dma_wait3A_959 = tpu.memref_squeeze %dma_wait3A_958 : memref<1x64x256xf32, #tpu.memory_space<vmem>> -> memref<64x256xf32, #tpu.memory_space<vmem>>
    %dma_wait3A_960 = arith.constant 64 : i32
    %dma_wait3A_961 = arith.constant 0 : i32
    %dma_wait3A_962 = tpu.memref_slice %arg2[%squeeze3A_28, %dma_wait3A_960, %dma_wait3A_961] : memref<16x256x256xf32, #tpu.memory_space<hbm>> -> memref<1x64x256xf32, #tpu.memory_space<hbm>>
    %dma_wait3A_963 = tpu.memref_squeeze %dma_wait3A_962 : memref<1x64x256xf32, #tpu.memory_space<hbm>> -> memref<64x256xf32, #tpu.memory_space<hbm>>
    %dma_wait3A_964 = arith.constant 0 : i32
    %dma_wait3A_965 = arith.constant 0 : i32
    %dma_wait3A_966 = tpu.memref_slice %arg6[%dma_wait3A_955, %dma_wait3A_964, %dma_wait3A_965] : memref<6x64x256xf32, #tpu.memory_space<vmem>> -> memref<1x64x256xf32, #tpu.memory_space<vmem>>
    %dma_wait3A_967 = tpu.memref_squeeze %dma_wait3A_966 : memref<1x64x256xf32, #tpu.memory_space<vmem>> -> memref<64x256xf32, #tpu.memory_space<vmem>>
    %dma_wait3A_968 = arith.constant 64 : i32
    %dma_wait3A_969 = arith.constant 0 : i32
    %dma_wait3A_970 = tpu.memref_slice %arg2[%squeeze3A_28, %dma_wait3A_968, %dma_wait3A_969] : memref<16x256x256xf32, #tpu.memory_space<hbm>> -> memref<1x64x256xf32, #tpu.memory_space<hbm>>
    %dma_wait3A_971 = tpu.memref_squeeze %dma_wait3A_970 : memref<1x64x256xf32, #tpu.memory_space<hbm>> -> memref<64x256xf32, #tpu.memory_space<hbm>>
    tpu.wait_dma2 semaphore(%arg8 : memref<!tpu.dma_semaphore, #tpu.memory_space<semaphore_mem>>) src(%dma_wait3A_971 : memref<64x256xf32, #tpu.memory_space<hbm>>) dst(%dma_wait3A_967 : memref<64x256xf32, #tpu.memory_space<vmem>>)
    %dma_start3A_972 = arith.constant 1 : i32
    %dma_start3A_973 = arith.constant 0 : i32
    %dma_start3A_974 = arith.constant 0 : i32
    %dma_start3A_975 = arith.constant 0 : i32
    %dma_start3A_976 = tpu.memref_slice %arg6[%dma_start3A_972, %dma_start3A_974, %dma_start3A_975] : memref<6x64x256xf32, #tpu.memory_space<vmem>> -> memref<1x64x256xf32, #tpu.memory_space<vmem>>
    %dma_start3A_977 = tpu.memref_squeeze %dma_start3A_976 : memref<1x64x256xf32, #tpu.memory_space<vmem>> -> memref<64x256xf32, #tpu.memory_space<vmem>>
    %dma_start3A_978 = arith.constant 64 : i32
    %dma_start3A_979 = arith.constant 0 : i32
    %dma_start3A_980 = tpu.memref_slice %arg4[%add3A_954, %dma_start3A_973, %dma_start3A_978, %dma_start3A_979] : memref<128x1x256x256xf32, #tpu.memory_space<hbm>> -> memref<1x1x64x256xf32, #tpu.memory_space<hbm>>
    %dma_start3A_981 = tpu.memref_squeeze %dma_start3A_980 : memref<1x1x64x256xf32, #tpu.memory_space<hbm>> -> memref<64x256xf32, #tpu.memory_space<hbm>>
    %dma_start3A_982 = arith.constant 64 : i32
    %dma_start3A_983 = arith.constant 0 : i32
    %dma_start3A_984 = tpu.memref_slice %arg4[%add3A_954, %dma_start3A_973, %dma_start3A_982, %dma_start3A_983] : memref<128x1x256x256xf32, #tpu.memory_space<hbm>> -> memref<1x1x64x256xf32, #tpu.memory_space<hbm>>
    %dma_start3A_985 = tpu.memref_squeeze %dma_start3A_984 : memref<1x1x64x256xf32, #tpu.memory_space<hbm>> -> memref<64x256xf32, #tpu.memory_space<hbm>>
    %dma_start3A_986 = arith.constant 0 : i32
    %dma_start3A_987 = arith.constant 0 : i32
    %dma_start3A_988 = tpu.memref_slice %arg6[%dma_start3A_972, %dma_start3A_986, %dma_start3A_987] : memref<6x64x256xf32, #tpu.memory_space<vmem>> -> memref<1x64x256xf32, #tpu.memory_space<vmem>>
    %dma_start3A_989 = tpu.memref_squeeze %dma_start3A_988 : memref<1x64x256xf32, #tpu.memory_space<vmem>> -> memref<64x256xf32, #tpu.memory_space<vmem>>
    tpu.enqueue_dma source(%dma_start3A_989 : memref<64x256xf32, #tpu.memory_space<vmem>>) target(%dma_start3A_985 : memref<64x256xf32, #tpu.memory_space<hbm>>) target_semaphore(%arg14 : memref<!tpu.dma_semaphore, #tpu.memory_space<semaphore_mem>>)
    %dma_wait3A_990 = arith.constant 3 : i32
    %dma_wait3A_991 = arith.constant 0 : i32
    %dma_wait3A_992 = arith.constant 0 : i32
    %dma_wait3A_993 = arith.constant 0 : i32
    %dma_wait3A_994 = tpu.memref_slice %arg6[%dma_wait3A_990, %dma_wait3A_992, %dma_wait3A_993] : memref<6x64x256xf32, #tpu.memory_space<vmem>> -> memref<1x64x256xf32, #tpu.memory_space<vmem>>
    %dma_wait3A_995 = tpu.memref_squeeze %dma_wait3A_994 : memref<1x64x256xf32, #tpu.memory_space<vmem>> -> memref<64x256xf32, #tpu.memory_space<vmem>>
    %dma_wait3A_996 = arith.constant 64 : i32
    %dma_wait3A_997 = arith.constant 0 : i32
    %dma_wait3A_998 = tpu.memref_slice %arg4[%add3A_658, %dma_wait3A_991, %dma_wait3A_996, %dma_wait3A_997] : memref<128x1x256x256xf32, #tpu.memory_space<hbm>> -> memref<1x1x64x256xf32, #tpu.memory_space<hbm>>
    %dma_wait3A_999 = tpu.memref_squeeze %dma_wait3A_998 : memref<1x1x64x256xf32, #tpu.memory_space<hbm>> -> memref<64x256xf32, #tpu.memory_space<hbm>>
    %dma_wait3A_1000 = arith.constant 64 : i32
    %dma_wait3A_1001 = arith.constant 0 : i32
    %dma_wait3A_1002 = tpu.memref_slice %arg4[%add3A_658, %dma_wait3A_991, %dma_wait3A_1000, %dma_wait3A_1001] : memref<128x1x256x256xf32, #tpu.memory_space<hbm>> -> memref<1x1x64x256xf32, #tpu.memory_space<hbm>>
    %dma_wait3A_1003 = tpu.memref_squeeze %dma_wait3A_1002 : memref<1x1x64x256xf32, #tpu.memory_space<hbm>> -> memref<64x256xf32, #tpu.memory_space<hbm>>
    %dma_wait3A_1004 = arith.constant 0 : i32
    %dma_wait3A_1005 = arith.constant 0 : i32
    %dma_wait3A_1006 = tpu.memref_slice %arg6[%dma_wait3A_990, %dma_wait3A_1004, %dma_wait3A_1005] : memref<6x64x256xf32, #tpu.memory_space<vmem>> -> memref<1x64x256xf32, #tpu.memory_space<vmem>>
    %dma_wait3A_1007 = tpu.memref_squeeze %dma_wait3A_1006 : memref<1x64x256xf32, #tpu.memory_space<vmem>> -> memref<64x256xf32, #tpu.memory_space<vmem>>
    tpu.wait_dma2 semaphore(%arg16 : memref<!tpu.dma_semaphore, #tpu.memory_space<semaphore_mem>>) src(%dma_wait3A_1007 : memref<64x256xf32, #tpu.memory_space<vmem>>) dst(%dma_wait3A_1003 : memref<64x256xf32, #tpu.memory_space<hbm>>)
    %dma_start3A_1008 = arith.constant 3 : i32
    %dma_start3A_1009 = arith.constant 0 : i32
    %dma_start3A_1010 = arith.constant 0 : i32
    %dma_start3A_1011 = tpu.memref_slice %arg6[%dma_start3A_1008, %dma_start3A_1009, %dma_start3A_1010] : memref<6x64x256xf32, #tpu.memory_space<vmem>> -> memref<1x64x256xf32, #tpu.memory_space<vmem>>
    %dma_start3A_1012 = tpu.memref_squeeze %dma_start3A_1011 : memref<1x64x256xf32, #tpu.memory_space<vmem>> -> memref<64x256xf32, #tpu.memory_space<vmem>>
    %dma_start3A_1013 = arith.constant 192 : i32
    %dma_start3A_1014 = arith.constant 0 : i32
    %dma_start3A_1015 = tpu.memref_slice %arg2[%squeeze3A_28, %dma_start3A_1013, %dma_start3A_1014] : memref<16x256x256xf32, #tpu.memory_space<hbm>> -> memref<1x64x256xf32, #tpu.memory_space<hbm>>
    %dma_start3A_1016 = tpu.memref_squeeze %dma_start3A_1015 : memref<1x64x256xf32, #tpu.memory_space<hbm>> -> memref<64x256xf32, #tpu.memory_space<hbm>>
    %dma_start3A_1017 = arith.constant 0 : i32
    %dma_start3A_1018 = arith.constant 0 : i32
    %dma_start3A_1019 = tpu.memref_slice %arg6[%dma_start3A_1008, %dma_start3A_1017, %dma_start3A_1018] : memref<6x64x256xf32, #tpu.memory_space<vmem>> -> memref<1x64x256xf32, #tpu.memory_space<vmem>>
    %dma_start3A_1020 = tpu.memref_squeeze %dma_start3A_1019 : memref<1x64x256xf32, #tpu.memory_space<vmem>> -> memref<64x256xf32, #tpu.memory_space<vmem>>
    %dma_start3A_1021 = arith.constant 192 : i32
    %dma_start3A_1022 = arith.constant 0 : i32
    %dma_start3A_1023 = tpu.memref_slice %arg2[%squeeze3A_28, %dma_start3A_1021, %dma_start3A_1022] : memref<16x256x256xf32, #tpu.memory_space<hbm>> -> memref<1x64x256xf32, #tpu.memory_space<hbm>>
    %dma_start3A_1024 = tpu.memref_squeeze %dma_start3A_1023 : memref<1x64x256xf32, #tpu.memory_space<hbm>> -> memref<64x256xf32, #tpu.memory_space<hbm>>
    tpu.enqueue_dma source(%dma_start3A_1024 : memref<64x256xf32, #tpu.memory_space<hbm>>) target(%dma_start3A_1020 : memref<64x256xf32, #tpu.memory_space<vmem>>) target_semaphore(%arg10 : memref<!tpu.dma_semaphore, #tpu.memory_space<semaphore_mem>>)
    %mul3A_1025 = arith.constant 4 : i32
    %mul3A_1026 = arith.muli %add3A, %mul3A_1025 : i32
    %add3A_1027 = arith.constant 3 : i32
    %add3A_1028 = arith.addi %mul3A_1026, %add3A_1027 : i32
    %dma_wait3A_1029 = arith.constant 2 : i32
    %dma_wait3A_1030 = arith.constant 0 : i32
    %dma_wait3A_1031 = arith.constant 0 : i32
    %dma_wait3A_1032 = tpu.memref_slice %arg6[%dma_wait3A_1029, %dma_wait3A_1030, %dma_wait3A_1031] : memref<6x64x256xf32, #tpu.memory_space<vmem>> -> memref<1x64x256xf32, #tpu.memory_space<vmem>>
    %dma_wait3A_1033 = tpu.memref_squeeze %dma_wait3A_1032 : memref<1x64x256xf32, #tpu.memory_space<vmem>> -> memref<64x256xf32, #tpu.memory_space<vmem>>
    %dma_wait3A_1034 = arith.constant 128 : i32
    %dma_wait3A_1035 = arith.constant 0 : i32
    %dma_wait3A_1036 = tpu.memref_slice %arg2[%squeeze3A_28, %dma_wait3A_1034, %dma_wait3A_1035] : memref<16x256x256xf32, #tpu.memory_space<hbm>> -> memref<1x64x256xf32, #tpu.memory_space<hbm>>
    %dma_wait3A_1037 = tpu.memref_squeeze %dma_wait3A_1036 : memref<1x64x256xf32, #tpu.memory_space<hbm>> -> memref<64x256xf32, #tpu.memory_space<hbm>>
    %dma_wait3A_1038 = arith.constant 0 : i32
    %dma_wait3A_1039 = arith.constant 0 : i32
    %dma_wait3A_1040 = tpu.memref_slice %arg6[%dma_wait3A_1029, %dma_wait3A_1038, %dma_wait3A_1039] : memref<6x64x256xf32, #tpu.memory_space<vmem>> -> memref<1x64x256xf32, #tpu.memory_space<vmem>>
    %dma_wait3A_1041 = tpu.memref_squeeze %dma_wait3A_1040 : memref<1x64x256xf32, #tpu.memory_space<vmem>> -> memref<64x256xf32, #tpu.memory_space<vmem>>
    %dma_wait3A_1042 = arith.constant 128 : i32
    %dma_wait3A_1043 = arith.constant 0 : i32
    %dma_wait3A_1044 = tpu.memref_slice %arg2[%squeeze3A_28, %dma_wait3A_1042, %dma_wait3A_1043] : memref<16x256x256xf32, #tpu.memory_space<hbm>> -> memref<1x64x256xf32, #tpu.memory_space<hbm>>
    %dma_wait3A_1045 = tpu.memref_squeeze %dma_wait3A_1044 : memref<1x64x256xf32, #tpu.memory_space<hbm>> -> memref<64x256xf32, #tpu.memory_space<hbm>>
    tpu.wait_dma2 semaphore(%arg9 : memref<!tpu.dma_semaphore, #tpu.memory_space<semaphore_mem>>) src(%dma_wait3A_1045 : memref<64x256xf32, #tpu.memory_space<hbm>>) dst(%dma_wait3A_1041 : memref<64x256xf32, #tpu.memory_space<vmem>>)
    %dma_start3A_1046 = arith.constant 2 : i32
    %dma_start3A_1047 = arith.constant 0 : i32
    %dma_start3A_1048 = arith.constant 0 : i32
    %dma_start3A_1049 = arith.constant 0 : i32
    %dma_start3A_1050 = tpu.memref_slice %arg6[%dma_start3A_1046, %dma_start3A_1048, %dma_start3A_1049] : memref<6x64x256xf32, #tpu.memory_space<vmem>> -> memref<1x64x256xf32, #tpu.memory_space<vmem>>
    %dma_start3A_1051 = tpu.memref_squeeze %dma_start3A_1050 : memref<1x64x256xf32, #tpu.memory_space<vmem>> -> memref<64x256xf32, #tpu.memory_space<vmem>>
    %dma_start3A_1052 = arith.constant 128 : i32
    %dma_start3A_1053 = arith.constant 0 : i32
    %dma_start3A_1054 = tpu.memref_slice %arg4[%add3A_1028, %dma_start3A_1047, %dma_start3A_1052, %dma_start3A_1053] : memref<128x1x256x256xf32, #tpu.memory_space<hbm>> -> memref<1x1x64x256xf32, #tpu.memory_space<hbm>>
    %dma_start3A_1055 = tpu.memref_squeeze %dma_start3A_1054 : memref<1x1x64x256xf32, #tpu.memory_space<hbm>> -> memref<64x256xf32, #tpu.memory_space<hbm>>
    %dma_start3A_1056 = arith.constant 128 : i32
    %dma_start3A_1057 = arith.constant 0 : i32
    %dma_start3A_1058 = tpu.memref_slice %arg4[%add3A_1028, %dma_start3A_1047, %dma_start3A_1056, %dma_start3A_1057] : memref<128x1x256x256xf32, #tpu.memory_space<hbm>> -> memref<1x1x64x256xf32, #tpu.memory_space<hbm>>
    %dma_start3A_1059 = tpu.memref_squeeze %dma_start3A_1058 : memref<1x1x64x256xf32, #tpu.memory_space<hbm>> -> memref<64x256xf32, #tpu.memory_space<hbm>>
    %dma_start3A_1060 = arith.constant 0 : i32
    %dma_start3A_1061 = arith.constant 0 : i32
    %dma_start3A_1062 = tpu.memref_slice %arg6[%dma_start3A_1046, %dma_start3A_1060, %dma_start3A_1061] : memref<6x64x256xf32, #tpu.memory_space<vmem>> -> memref<1x64x256xf32, #tpu.memory_space<vmem>>
    %dma_start3A_1063 = tpu.memref_squeeze %dma_start3A_1062 : memref<1x64x256xf32, #tpu.memory_space<vmem>> -> memref<64x256xf32, #tpu.memory_space<vmem>>
    tpu.enqueue_dma source(%dma_start3A_1063 : memref<64x256xf32, #tpu.memory_space<vmem>>) target(%dma_start3A_1059 : memref<64x256xf32, #tpu.memory_space<hbm>>) target_semaphore(%arg15 : memref<!tpu.dma_semaphore, #tpu.memory_space<semaphore_mem>>)
    %mul3A_1064 = arith.constant 4 : i32
    %mul3A_1065 = arith.muli %add3A, %mul3A_1064 : i32
    %add3A_1066 = arith.constant 3 : i32
    %add3A_1067 = arith.addi %mul3A_1065, %add3A_1066 : i32
    %dma_wait3A_1068 = arith.constant 3 : i32
    %dma_wait3A_1069 = arith.constant 0 : i32
    %dma_wait3A_1070 = arith.constant 0 : i32
    %dma_wait3A_1071 = tpu.memref_slice %arg6[%dma_wait3A_1068, %dma_wait3A_1069, %dma_wait3A_1070] : memref<6x64x256xf32, #tpu.memory_space<vmem>> -> memref<1x64x256xf32, #tpu.memory_space<vmem>>
    %dma_wait3A_1072 = tpu.memref_squeeze %dma_wait3A_1071 : memref<1x64x256xf32, #tpu.memory_space<vmem>> -> memref<64x256xf32, #tpu.memory_space<vmem>>
    %dma_wait3A_1073 = arith.constant 192 : i32
    %dma_wait3A_1074 = arith.constant 0 : i32
    %dma_wait3A_1075 = tpu.memref_slice %arg2[%squeeze3A_28, %dma_wait3A_1073, %dma_wait3A_1074] : memref<16x256x256xf32, #tpu.memory_space<hbm>> -> memref<1x64x256xf32, #tpu.memory_space<hbm>>
    %dma_wait3A_1076 = tpu.memref_squeeze %dma_wait3A_1075 : memref<1x64x256xf32, #tpu.memory_space<hbm>> -> memref<64x256xf32, #tpu.memory_space<hbm>>
    %dma_wait3A_1077 = arith.constant 0 : i32
    %dma_wait3A_1078 = arith.constant 0 : i32
    %dma_wait3A_1079 = tpu.memref_slice %arg6[%dma_wait3A_1068, %dma_wait3A_1077, %dma_wait3A_1078] : memref<6x64x256xf32, #tpu.memory_space<vmem>> -> memref<1x64x256xf32, #tpu.memory_space<vmem>>
    %dma_wait3A_1080 = tpu.memref_squeeze %dma_wait3A_1079 : memref<1x64x256xf32, #tpu.memory_space<vmem>> -> memref<64x256xf32, #tpu.memory_space<vmem>>
    %dma_wait3A_1081 = arith.constant 192 : i32
    %dma_wait3A_1082 = arith.constant 0 : i32
    %dma_wait3A_1083 = tpu.memref_slice %arg2[%squeeze3A_28, %dma_wait3A_1081, %dma_wait3A_1082] : memref<16x256x256xf32, #tpu.memory_space<hbm>> -> memref<1x64x256xf32, #tpu.memory_space<hbm>>
    %dma_wait3A_1084 = tpu.memref_squeeze %dma_wait3A_1083 : memref<1x64x256xf32, #tpu.memory_space<hbm>> -> memref<64x256xf32, #tpu.memory_space<hbm>>
    tpu.wait_dma2 semaphore(%arg10 : memref<!tpu.dma_semaphore, #tpu.memory_space<semaphore_mem>>) src(%dma_wait3A_1084 : memref<64x256xf32, #tpu.memory_space<hbm>>) dst(%dma_wait3A_1080 : memref<64x256xf32, #tpu.memory_space<vmem>>)
    %dma_start3A_1085 = arith.constant 3 : i32
    %dma_start3A_1086 = arith.constant 0 : i32
    %dma_start3A_1087 = arith.constant 0 : i32
    %dma_start3A_1088 = arith.constant 0 : i32
    %dma_start3A_1089 = tpu.memref_slice %arg6[%dma_start3A_1085, %dma_start3A_1087, %dma_start3A_1088] : memref<6x64x256xf32, #tpu.memory_space<vmem>> -> memref<1x64x256xf32, #tpu.memory_space<vmem>>
    %dma_start3A_1090 = tpu.memref_squeeze %dma_start3A_1089 : memref<1x64x256xf32, #tpu.memory_space<vmem>> -> memref<64x256xf32, #tpu.memory_space<vmem>>
    %dma_start3A_1091 = arith.constant 192 : i32
    %dma_start3A_1092 = arith.constant 0 : i32
    %dma_start3A_1093 = tpu.memref_slice %arg4[%add3A_1067, %dma_start3A_1086, %dma_start3A_1091, %dma_start3A_1092] : memref<128x1x256x256xf32, #tpu.memory_space<hbm>> -> memref<1x1x64x256xf32, #tpu.memory_space<hbm>>
    %dma_start3A_1094 = tpu.memref_squeeze %dma_start3A_1093 : memref<1x1x64x256xf32, #tpu.memory_space<hbm>> -> memref<64x256xf32, #tpu.memory_space<hbm>>
    %dma_start3A_1095 = arith.constant 192 : i32
    %dma_start3A_1096 = arith.constant 0 : i32
    %dma_start3A_1097 = tpu.memref_slice %arg4[%add3A_1067, %dma_start3A_1086, %dma_start3A_1095, %dma_start3A_1096] : memref<128x1x256x256xf32, #tpu.memory_space<hbm>> -> memref<1x1x64x256xf32, #tpu.memory_space<hbm>>
    %dma_start3A_1098 = tpu.memref_squeeze %dma_start3A_1097 : memref<1x1x64x256xf32, #tpu.memory_space<hbm>> -> memref<64x256xf32, #tpu.memory_space<hbm>>
    %dma_start3A_1099 = arith.constant 0 : i32
    %dma_start3A_1100 = arith.constant 0 : i32
    %dma_start3A_1101 = tpu.memref_slice %arg6[%dma_start3A_1085, %dma_start3A_1099, %dma_start3A_1100] : memref<6x64x256xf32, #tpu.memory_space<vmem>> -> memref<1x64x256xf32, #tpu.memory_space<vmem>>
    %dma_start3A_1102 = tpu.memref_squeeze %dma_start3A_1101 : memref<1x64x256xf32, #tpu.memory_space<vmem>> -> memref<64x256xf32, #tpu.memory_space<vmem>>
    tpu.enqueue_dma source(%dma_start3A_1102 : memref<64x256xf32, #tpu.memory_space<vmem>>) target(%dma_start3A_1098 : memref<64x256xf32, #tpu.memory_space<hbm>>) target_semaphore(%arg16 : memref<!tpu.dma_semaphore, #tpu.memory_space<semaphore_mem>>)
    %dma_wait3A_1103 = arith.constant 0 : i32
    %dma_wait3A_1104 = arith.constant 0 : i32
    %dma_wait3A_1105 = arith.constant 0 : i32
    %dma_wait3A_1106 = arith.constant 0 : i32
    %dma_wait3A_1107 = tpu.memref_slice %arg6[%dma_wait3A_1103, %dma_wait3A_1105, %dma_wait3A_1106] : memref<6x64x256xf32, #tpu.memory_space<vmem>> -> memref<1x64x256xf32, #tpu.memory_space<vmem>>
    %dma_wait3A_1108 = tpu.memref_squeeze %dma_wait3A_1107 : memref<1x64x256xf32, #tpu.memory_space<vmem>> -> memref<64x256xf32, #tpu.memory_space<vmem>>
    %dma_wait3A_1109 = arith.constant 0 : i32
    %dma_wait3A_1110 = arith.constant 0 : i32
    %dma_wait3A_1111 = tpu.memref_slice %arg4[%add3A_880, %dma_wait3A_1104, %dma_wait3A_1109, %dma_wait3A_1110] : memref<128x1x256x256xf32, #tpu.memory_space<hbm>> -> memref<1x1x64x256xf32, #tpu.memory_space<hbm>>
    %dma_wait3A_1112 = tpu.memref_squeeze %dma_wait3A_1111 : memref<1x1x64x256xf32, #tpu.memory_space<hbm>> -> memref<64x256xf32, #tpu.memory_space<hbm>>
    %dma_wait3A_1113 = arith.constant 0 : i32
    %dma_wait3A_1114 = arith.constant 0 : i32
    %dma_wait3A_1115 = tpu.memref_slice %arg4[%add3A_880, %dma_wait3A_1104, %dma_wait3A_1113, %dma_wait3A_1114] : memref<128x1x256x256xf32, #tpu.memory_space<hbm>> -> memref<1x1x64x256xf32, #tpu.memory_space<hbm>>
    %dma_wait3A_1116 = tpu.memref_squeeze %dma_wait3A_1115 : memref<1x1x64x256xf32, #tpu.memory_space<hbm>> -> memref<64x256xf32, #tpu.memory_space<hbm>>
    %dma_wait3A_1117 = arith.constant 0 : i32
    %dma_wait3A_1118 = arith.constant 0 : i32
    %dma_wait3A_1119 = tpu.memref_slice %arg6[%dma_wait3A_1103, %dma_wait3A_1117, %dma_wait3A_1118] : memref<6x64x256xf32, #tpu.memory_space<vmem>> -> memref<1x64x256xf32, #tpu.memory_space<vmem>>
    %dma_wait3A_1120 = tpu.memref_squeeze %dma_wait3A_1119 : memref<1x64x256xf32, #tpu.memory_space<vmem>> -> memref<64x256xf32, #tpu.memory_space<vmem>>
    tpu.wait_dma2 semaphore(%arg13 : memref<!tpu.dma_semaphore, #tpu.memory_space<semaphore_mem>>) src(%dma_wait3A_1120 : memref<64x256xf32, #tpu.memory_space<vmem>>) dst(%dma_wait3A_1116 : memref<64x256xf32, #tpu.memory_space<hbm>>)
    %dma_wait3A_1121 = arith.constant 1 : i32
    %dma_wait3A_1122 = arith.constant 0 : i32
    %dma_wait3A_1123 = arith.constant 0 : i32
    %dma_wait3A_1124 = arith.constant 0 : i32
    %dma_wait3A_1125 = tpu.memref_slice %arg6[%dma_wait3A_1121, %dma_wait3A_1123, %dma_wait3A_1124] : memref<6x64x256xf32, #tpu.memory_space<vmem>> -> memref<1x64x256xf32, #tpu.memory_space<vmem>>
    %dma_wait3A_1126 = tpu.memref_squeeze %dma_wait3A_1125 : memref<1x64x256xf32, #tpu.memory_space<vmem>> -> memref<64x256xf32, #tpu.memory_space<vmem>>
    %dma_wait3A_1127 = arith.constant 64 : i32
    %dma_wait3A_1128 = arith.constant 0 : i32
    %dma_wait3A_1129 = tpu.memref_slice %arg4[%add3A_954, %dma_wait3A_1122, %dma_wait3A_1127, %dma_wait3A_1128] : memref<128x1x256x256xf32, #tpu.memory_space<hbm>> -> memref<1x1x64x256xf32, #tpu.memory_space<hbm>>
    %dma_wait3A_1130 = tpu.memref_squeeze %dma_wait3A_1129 : memref<1x1x64x256xf32, #tpu.memory_space<hbm>> -> memref<64x256xf32, #tpu.memory_space<hbm>>
    %dma_wait3A_1131 = arith.constant 64 : i32
    %dma_wait3A_1132 = arith.constant 0 : i32
    %dma_wait3A_1133 = tpu.memref_slice %arg4[%add3A_954, %dma_wait3A_1122, %dma_wait3A_1131, %dma_wait3A_1132] : memref<128x1x256x256xf32, #tpu.memory_space<hbm>> -> memref<1x1x64x256xf32, #tpu.memory_space<hbm>>
    %dma_wait3A_1134 = tpu.memref_squeeze %dma_wait3A_1133 : memref<1x1x64x256xf32, #tpu.memory_space<hbm>> -> memref<64x256xf32, #tpu.memory_space<hbm>>
    %dma_wait3A_1135 = arith.constant 0 : i32
    %dma_wait3A_1136 = arith.constant 0 : i32
    %dma_wait3A_1137 = tpu.memref_slice %arg6[%dma_wait3A_1121, %dma_wait3A_1135, %dma_wait3A_1136] : memref<6x64x256xf32, #tpu.memory_space<vmem>> -> memref<1x64x256xf32, #tpu.memory_space<vmem>>
    %dma_wait3A_1138 = tpu.memref_squeeze %dma_wait3A_1137 : memref<1x64x256xf32, #tpu.memory_space<vmem>> -> memref<64x256xf32, #tpu.memory_space<vmem>>
    tpu.wait_dma2 semaphore(%arg14 : memref<!tpu.dma_semaphore, #tpu.memory_space<semaphore_mem>>) src(%dma_wait3A_1138 : memref<64x256xf32, #tpu.memory_space<vmem>>) dst(%dma_wait3A_1134 : memref<64x256xf32, #tpu.memory_space<hbm>>)
    %dma_wait3A_1139 = arith.constant 2 : i32
    %dma_wait3A_1140 = arith.constant 0 : i32
    %dma_wait3A_1141 = arith.constant 0 : i32
    %dma_wait3A_1142 = arith.constant 0 : i32
    %dma_wait3A_1143 = tpu.memref_slice %arg6[%dma_wait3A_1139, %dma_wait3A_1141, %dma_wait3A_1142] : memref<6x64x256xf32, #tpu.memory_space<vmem>> -> memref<1x64x256xf32, #tpu.memory_space<vmem>>
    %dma_wait3A_1144 = tpu.memref_squeeze %dma_wait3A_1143 : memref<1x64x256xf32, #tpu.memory_space<vmem>> -> memref<64x256xf32, #tpu.memory_space<vmem>>
    %dma_wait3A_1145 = arith.constant 128 : i32
    %dma_wait3A_1146 = arith.constant 0 : i32
    %dma_wait3A_1147 = tpu.memref_slice %arg4[%add3A_1028, %dma_wait3A_1140, %dma_wait3A_1145, %dma_wait3A_1146] : memref<128x1x256x256xf32, #tpu.memory_space<hbm>> -> memref<1x1x64x256xf32, #tpu.memory_space<hbm>>
    %dma_wait3A_1148 = tpu.memref_squeeze %dma_wait3A_1147 : memref<1x1x64x256xf32, #tpu.memory_space<hbm>> -> memref<64x256xf32, #tpu.memory_space<hbm>>
    %dma_wait3A_1149 = arith.constant 128 : i32
    %dma_wait3A_1150 = arith.constant 0 : i32
    %dma_wait3A_1151 = tpu.memref_slice %arg4[%add3A_1028, %dma_wait3A_1140, %dma_wait3A_1149, %dma_wait3A_1150] : memref<128x1x256x256xf32, #tpu.memory_space<hbm>> -> memref<1x1x64x256xf32, #tpu.memory_space<hbm>>
    %dma_wait3A_1152 = tpu.memref_squeeze %dma_wait3A_1151 : memref<1x1x64x256xf32, #tpu.memory_space<hbm>> -> memref<64x256xf32, #tpu.memory_space<hbm>>
    %dma_wait3A_1153 = arith.constant 0 : i32
    %dma_wait3A_1154 = arith.constant 0 : i32
    %dma_wait3A_1155 = tpu.memref_slice %arg6[%dma_wait3A_1139, %dma_wait3A_1153, %dma_wait3A_1154] : memref<6x64x256xf32, #tpu.memory_space<vmem>> -> memref<1x64x256xf32, #tpu.memory_space<vmem>>
    %dma_wait3A_1156 = tpu.memref_squeeze %dma_wait3A_1155 : memref<1x64x256xf32, #tpu.memory_space<vmem>> -> memref<64x256xf32, #tpu.memory_space<vmem>>
    tpu.wait_dma2 semaphore(%arg15 : memref<!tpu.dma_semaphore, #tpu.memory_space<semaphore_mem>>) src(%dma_wait3A_1156 : memref<64x256xf32, #tpu.memory_space<vmem>>) dst(%dma_wait3A_1152 : memref<64x256xf32, #tpu.memory_space<hbm>>)
    %dma_wait3A_1157 = arith.constant 3 : i32
    %dma_wait3A_1158 = arith.constant 0 : i32
    %dma_wait3A_1159 = arith.constant 0 : i32
    %dma_wait3A_1160 = arith.constant 0 : i32
    %dma_wait3A_1161 = tpu.memref_slice %arg6[%dma_wait3A_1157, %dma_wait3A_1159, %dma_wait3A_1160] : memref<6x64x256xf32, #tpu.memory_space<vmem>> -> memref<1x64x256xf32, #tpu.memory_space<vmem>>
    %dma_wait3A_1162 = tpu.memref_squeeze %dma_wait3A_1161 : memref<1x64x256xf32, #tpu.memory_space<vmem>> -> memref<64x256xf32, #tpu.memory_space<vmem>>
    %dma_wait3A_1163 = arith.constant 192 : i32
    %dma_wait3A_1164 = arith.constant 0 : i32
    %dma_wait3A_1165 = tpu.memref_slice %arg4[%add3A_1067, %dma_wait3A_1158, %dma_wait3A_1163, %dma_wait3A_1164] : memref<128x1x256x256xf32, #tpu.memory_space<hbm>> -> memref<1x1x64x256xf32, #tpu.memory_space<hbm>>
    %dma_wait3A_1166 = tpu.memref_squeeze %dma_wait3A_1165 : memref<1x1x64x256xf32, #tpu.memory_space<hbm>> -> memref<64x256xf32, #tpu.memory_space<hbm>>
    %dma_wait3A_1167 = arith.constant 192 : i32
    %dma_wait3A_1168 = arith.constant 0 : i32
    %dma_wait3A_1169 = tpu.memref_slice %arg4[%add3A_1067, %dma_wait3A_1158, %dma_wait3A_1167, %dma_wait3A_1168] : memref<128x1x256x256xf32, #tpu.memory_space<hbm>> -> memref<1x1x64x256xf32, #tpu.memory_space<hbm>>
    %dma_wait3A_1170 = tpu.memref_squeeze %dma_wait3A_1169 : memref<1x1x64x256xf32, #tpu.memory_space<hbm>> -> memref<64x256xf32, #tpu.memory_space<hbm>>
    %dma_wait3A_1171 = arith.constant 0 : i32
    %dma_wait3A_1172 = arith.constant 0 : i32
    %dma_wait3A_1173 = tpu.memref_slice %arg6[%dma_wait3A_1157, %dma_wait3A_1171, %dma_wait3A_1172] : memref<6x64x256xf32, #tpu.memory_space<vmem>> -> memref<1x64x256xf32, #tpu.memory_space<vmem>>
    %dma_wait3A_1174 = tpu.memref_squeeze %dma_wait3A_1173 : memref<1x64x256xf32, #tpu.memory_space<vmem>> -> memref<64x256xf32, #tpu.memory_space<vmem>>
    tpu.wait_dma2 semaphore(%arg16 : memref<!tpu.dma_semaphore, #tpu.memory_space<semaphore_mem>>) src(%dma_wait3A_1174 : memref<64x256xf32, #tpu.memory_space<vmem>>) dst(%dma_wait3A_1170 : memref<64x256xf32, #tpu.memory_space<hbm>>)
    %dma_wait3A_1175 = arith.constant 4 : i32
    %dma_wait3A_1176 = arith.constant 0 : i32
    %dma_wait3A_1177 = arith.constant 0 : i32
    %dma_wait3A_1178 = arith.constant 0 : i32
    %dma_wait3A_1179 = tpu.memref_slice %arg6[%dma_wait3A_1175, %dma_wait3A_1177, %dma_wait3A_1178] : memref<6x64x256xf32, #tpu.memory_space<vmem>> -> memref<1x64x256xf32, #tpu.memory_space<vmem>>
    %dma_wait3A_1180 = tpu.memref_squeeze %dma_wait3A_1179 : memref<1x64x256xf32, #tpu.memory_space<vmem>> -> memref<64x256xf32, #tpu.memory_space<vmem>>
    %dma_wait3A_1181 = arith.constant 128 : i32
    %dma_wait3A_1182 = arith.constant 0 : i32
    %dma_wait3A_1183 = tpu.memref_slice %arg4[%add3A_732, %dma_wait3A_1176, %dma_wait3A_1181, %dma_wait3A_1182] : memref<128x1x256x256xf32, #tpu.memory_space<hbm>> -> memref<1x1x64x256xf32, #tpu.memory_space<hbm>>
    %dma_wait3A_1184 = tpu.memref_squeeze %dma_wait3A_1183 : memref<1x1x64x256xf32, #tpu.memory_space<hbm>> -> memref<64x256xf32, #tpu.memory_space<hbm>>
    %dma_wait3A_1185 = arith.constant 128 : i32
    %dma_wait3A_1186 = arith.constant 0 : i32
    %dma_wait3A_1187 = tpu.memref_slice %arg4[%add3A_732, %dma_wait3A_1176, %dma_wait3A_1185, %dma_wait3A_1186] : memref<128x1x256x256xf32, #tpu.memory_space<hbm>> -> memref<1x1x64x256xf32, #tpu.memory_space<hbm>>
    %dma_wait3A_1188 = tpu.memref_squeeze %dma_wait3A_1187 : memref<1x1x64x256xf32, #tpu.memory_space<hbm>> -> memref<64x256xf32, #tpu.memory_space<hbm>>
    %dma_wait3A_1189 = arith.constant 0 : i32
    %dma_wait3A_1190 = arith.constant 0 : i32
    %dma_wait3A_1191 = tpu.memref_slice %arg6[%dma_wait3A_1175, %dma_wait3A_1189, %dma_wait3A_1190] : memref<6x64x256xf32, #tpu.memory_space<vmem>> -> memref<1x64x256xf32, #tpu.memory_space<vmem>>
    %dma_wait3A_1192 = tpu.memref_squeeze %dma_wait3A_1191 : memref<1x64x256xf32, #tpu.memory_space<vmem>> -> memref<64x256xf32, #tpu.memory_space<vmem>>
    tpu.wait_dma2 semaphore(%arg17 : memref<!tpu.dma_semaphore, #tpu.memory_space<semaphore_mem>>) src(%dma_wait3A_1192 : memref<64x256xf32, #tpu.memory_space<vmem>>) dst(%dma_wait3A_1188 : memref<64x256xf32, #tpu.memory_space<hbm>>)
    %dma_wait3A_1193 = arith.constant 5 : i32
    %dma_wait3A_1194 = arith.constant 0 : i32
    %dma_wait3A_1195 = arith.constant 0 : i32
    %dma_wait3A_1196 = arith.constant 0 : i32
    %dma_wait3A_1197 = tpu.memref_slice %arg6[%dma_wait3A_1193, %dma_wait3A_1195, %dma_wait3A_1196] : memref<6x64x256xf32, #tpu.memory_space<vmem>> -> memref<1x64x256xf32, #tpu.memory_space<vmem>>
    %dma_wait3A_1198 = tpu.memref_squeeze %dma_wait3A_1197 : memref<1x64x256xf32, #tpu.memory_space<vmem>> -> memref<64x256xf32, #tpu.memory_space<vmem>>
    %dma_wait3A_1199 = arith.constant 192 : i32
    %dma_wait3A_1200 = arith.constant 0 : i32
    %dma_wait3A_1201 = tpu.memref_slice %arg4[%add3A_806, %dma_wait3A_1194, %dma_wait3A_1199, %dma_wait3A_1200] : memref<128x1x256x256xf32, #tpu.memory_space<hbm>> -> memref<1x1x64x256xf32, #tpu.memory_space<hbm>>
    %dma_wait3A_1202 = tpu.memref_squeeze %dma_wait3A_1201 : memref<1x1x64x256xf32, #tpu.memory_space<hbm>> -> memref<64x256xf32, #tpu.memory_space<hbm>>
    %dma_wait3A_1203 = arith.constant 192 : i32
    %dma_wait3A_1204 = arith.constant 0 : i32
    %dma_wait3A_1205 = tpu.memref_slice %arg4[%add3A_806, %dma_wait3A_1194, %dma_wait3A_1203, %dma_wait3A_1204] : memref<128x1x256x256xf32, #tpu.memory_space<hbm>> -> memref<1x1x64x256xf32, #tpu.memory_space<hbm>>
    %dma_wait3A_1206 = tpu.memref_squeeze %dma_wait3A_1205 : memref<1x1x64x256xf32, #tpu.memory_space<hbm>> -> memref<64x256xf32, #tpu.memory_space<hbm>>
    %dma_wait3A_1207 = arith.constant 0 : i32
    %dma_wait3A_1208 = arith.constant 0 : i32
    %dma_wait3A_1209 = tpu.memref_slice %arg6[%dma_wait3A_1193, %dma_wait3A_1207, %dma_wait3A_1208] : memref<6x64x256xf32, #tpu.memory_space<vmem>> -> memref<1x64x256xf32, #tpu.memory_space<vmem>>
    %dma_wait3A_1210 = tpu.memref_squeeze %dma_wait3A_1209 : memref<1x64x256xf32, #tpu.memory_space<vmem>> -> memref<64x256xf32, #tpu.memory_space<vmem>>
    tpu.wait_dma2 semaphore(%arg18 : memref<!tpu.dma_semaphore, #tpu.memory_space<semaphore_mem>>) src(%dma_wait3A_1210 : memref<64x256xf32, #tpu.memory_space<vmem>>) dst(%dma_wait3A_1206 : memref<64x256xf32, #tpu.memory_space<hbm>>)
    return
  }
}

module attributes {stable_mosaic.version = 14 : i64} {
  func.func @_crop_body(%arg0: i32, %arg1: memref<1x1x264x384xf32, #tpu.memory_space<vmem>>, %arg2: memref<1x256x256xf32, #tpu.memory_space<vmem>>) attributes {dimension_semantics = [#tpu.dimension_semantics<arbitrary>], iteration_bounds = array<i64: 16>, scalar_prefetch = 0 : i64, scratch_operands = 0 : i64, tpu.core_type = #tpu.core_type<tc>, window_params = [{transform_indices = @transform_0, window_bounds = array<i64: 1, 1, 264, 384>}, {transform_indices = @transform_1, window_bounds = array<i64: 1, 256, 256>}]} {
    %get3A = arith.constant 0 : index
    %get3A_0 = arith.constant 0 : index
    %get3A_1 = arith.constant 4 : index
    %get3A_2 = arith.constant 60 : index
    %get3A_3 = vector.load %arg1[%get3A, %get3A_0, %get3A_1, %get3A_2] : memref<1x1x264x384xf32, #tpu.memory_space<vmem>>, vector<1x1x256x256xf32>
    %get3A_4 = vector.shape_cast %get3A_3 : vector<1x1x256x256xf32> to vector<256x256xf32>
    %swap3A = arith.constant 0 : index
    %swap3A_5 = arith.constant 0 : index
    %swap3A_6 = arith.constant 0 : index
    %swap3A_7 = vector.load %arg2[%swap3A, %swap3A_5, %swap3A_6] : memref<1x256x256xf32, #tpu.memory_space<vmem>>, vector<1x256x256xf32>
    %swap3A_8 = vector.shape_cast %swap3A_7 : vector<1x256x256xf32> to vector<256x256xf32>
    %swap3A_9 = vector.shape_cast %get3A_4 : vector<256x256xf32> to vector<1x256x256xf32>
    tpu.vector_store %arg2[%swap3A, %swap3A_5, %swap3A_6], %swap3A_9 {strides = array<i32>} : memref<1x256x256xf32, #tpu.memory_space<vmem>>, vector<1x256x256xf32>,
    return
  }
  func.func @transform_0(%arg0: i32) -> (i32, i32, i32, i32) {
    %c0_i32 = arith.constant 0 : i32
    %c0_i32_0 = arith.constant 0 : i32
    %c0_i32_1 = arith.constant 0 : i32
    %c0_i32_2 = arith.constant 0 : i32
    return %arg0, %c0_i32, %c0_i32_0, %c0_i32_1 : i32, i32, i32, i32
  }
  func.func @transform_1(%arg0: i32) -> (i32, i32, i32) {
    %c0_i32 = arith.constant 0 : i32
    %c0_i32_0 = arith.constant 0 : i32
    %c0_i32_1 = arith.constant 0 : i32
    return %arg0, %c0_i32, %c0_i32_0 : i32, i32, i32
  }
}

</mosaic_0001>

<sc_bundles>
// kernel: kernel.4.cloned.1.call-start
scs
__scs_entry_jumppad:
0x0: {  	(pc) =	sbr.rel $0x88, $3  }
0x1: {  	(tag) =	ssettag $0x0;
	lr =	simm.s32 $0x1  }
0x2: {  	[smem:$0x3F9F] =	sst lr;
	_ =	strace $0xD0000000  }
0x3: {  	_ = 	snop  }
0x4: {  	_ = 	snop  }
0x5: {  	_ = 	snop  }
0x6: {  	_ = 	snop  }
0x7: {  	_ = 	snop  }
__scs_overlays_trampoline_lowered:
0x8: {  	[smem:$0x3FAE] =	sst s0  }
0x9: {  	[smem:$0x3FAF] =	sst s1  }
0xa: {  	[smem:$0x3FB0] =	sst s2  }
0xb: {  	[smem:$0x3FB1] =	sst s3  }
0xc: {  	[smem:$0x3FB2] =	sst s4  }
0xd: {  	[smem:$0x3FB3] =	sst s5  }
0xe: {  	[smem:$0x3FB4] =	sst s6  }
0xf: {  	[smem:$0x3FB5] =	sst s7  }
0x10: {  	[smem:$0x3FB6] =	sst s8  }
0x11: {  	[smem:$0x3FB7] =	sst s9;
	s0 =	simm.s32 @!p0 $0x0  }
0x12: {  	s1 =	sld [smem:$0x3F9D];
	s0 =	simm.s32 @p0 $0x1  }
0x13: {  	[smem:$0x3FB8] =	sst s0;
	s0 =	simm.s32 @!p1 $0x0  }
0x14: {  	s2 =	sld [smem:$0x3F9C];
	s0 =	simm.s32 @p1 $0x1  }
0x15: {  	[smem:$0x3FB9] =	sst s0;
	s0 =	simm.s32 @!p2 $0x0  }
0x16: {  	s3 =	sld [smem:$0x3FDB];
	s0 =	simm.s32 @p2 $0x1  }
0x17: {  	s4 =	simm.s32 $0x1BF5;
	[smem:$0x3FBB] =	sst s0  }
0x18: {  	s0 =	sld [smem:$0x3F9E];
	_ =	swait.ge [sflag:s4], $0x0  }
0x19: {  	s7 =	sld [smem:$0x3F9F]  }
0x1a: {  	s8 =	sadd.s32 $0xFFFFE003, lr  }
0x1b: {  	s9 =	sadd.s32 $0xFFFFFEF7, lr;
	s5 =	simm.s32 $0xFFFFFFFF;
	p2 =	slt.u32 s8, $0xFFFFF086  }
0x1c: {  	p1 =	slt.u32 s9, $0xF7A;
	s5 =	simm.s32 @!p2 $0x0  }
0x1d: {  	s5 =	simm.s32 @p1 $0x1;
	p0 =	seq.s32 s7, s2  }
0x1e: {  	s7 =	smul.u32 @!p0 $0xF7A, s2;
	p2 =	seq.s32 @!p0 s5, $0x0  }
0x1f: {  	s9 =	smul.u32 $0xF7A, s1;
	s8 =	simm.s32 @!p0 $0x1BF5;
	p2 =	por !p2, p0  }
0x20: {  	[sflag:s8] =	ssyncset.s32 @!p0 $0xFFFFF086;
	s6 =	sadd.s32 @!p0 s3, s7;
	s7 =	simm.s32 @!p0 $0x108  }
0x21: {  	s3 =	sadd.s32 s3, s9;
	s6 =	sadd.s32 @!p0 $0x88, s6;
	s7 =	simm.s32 @p2 $0x1082  }
0x22: {  	[simem:s7], [sflag:s8] =	dma.local @!p0 [hbm:s6], $0xF7A  }
0x23: {  	s9 =	sor.u32 $0xD0000000, s2;
	s6 =	simm.s32 $0x108;
	_ =	swait.ge @!p0 [sflag:s8], $0x0  }
0x24: {  	s3 =	sadd.s32 $0x88, s3;
	s6 =	simm.s32 @!p1 $0x1082;
	[sflag:s4] =	ssyncset.s32 $0xFFFFF086  }
0x25: {  	[simem:s6], [sflag:s4] =	dma.local [hbm:s3], $0xF7A  }
0x26: {  	[smem:$0x3F9F] =	sst s1;
	(tag) =	ssettag s2;
	_ =	strace s9  }
0x27: {  	s1 =	sld [smem:$0x3FAF]  }
0x28: {  	s2 =	sld [smem:$0x3FB0]  }
0x29: {  	s4 =	sld [smem:$0x3FB2]  }
0x2a: {  	p0 =	seq.s32 s5, $0x0;
	s5 =	sld [smem:$0x3FB3]  }
0x2b: {  	s6 =	sld [smem:$0x3FB4]  }
0x2c: {  	s7 =	sld [smem:$0x3FB5]  }
0x2d: {  	s3 =	simm.s32 $0x108;
	s8 =	sld [smem:$0x3FB6]  }
0x2e: {  	s3 =	simm.s32 @!p0 $0x1082;
	s9 =	sld [smem:$0x3FB7]  }
0x2f: {  	lr =	sadd.s32 s0, s3;
	s0 =	sld [smem:$0x3FAE]  }
0x30: {  	s3 =	sld [smem:$0x3FB1]  }
0x31: {  	[smem:$0x3FBA] =	sst s10  }
0x32: {  	s10 =	sld [smem:$0x3FB8];
	_ =	sdelay $0x3  }
0x33: {  	p0 =	seq.s32 s10, $0x1;
	s10 =	sld [smem:$0x3FBA];
	_ =	sdelay $0x3  }
0x34: {  	[smem:$0x3FBA] =	sst s10  }
0x35: {  	s10 =	sld [smem:$0x3FB9];
	_ =	sdelay $0x3  }
0x36: {  	p1 =	seq.s32 s10, $0x1;
	s10 =	sld [smem:$0x3FBA];
	_ =	sdelay $0x3  }
0x37: {  	[smem:$0x3FBA] =	sst s10  }
0x38: {  	s10 =	sld [smem:$0x3FBB]  }
0x39: {  	_ = 	snop;
	(pc) =	sbr.ind lr, $3  }
0x3a: {  	_ = 	snop  }
0x3b: {  	_ = 	snop  }
0x3c: {  	p2 =	seq.s32 s10, $0x1;
	s10 =	sld [smem:$0x3FBA]  }
0x3d: {  	_ =	shalt  }
0x3e: {  	_ =	shalt  }
0x3f: {  	_ =	shalt  }
0x40: {  	_ =	shalt  }
0x41: {  	_ =	shalt  }
0x42: {  	_ =	shalt  }
0x43: {  	_ =	shalt  }
0x44: {  	_ =	shalt  }
0x45: {  	_ =	shalt  }
0x46: {  	_ =	shalt  }
0x47: {  	_ =	shalt  }
0x48: {  	_ =	shalt  }
0x49: {  	_ =	shalt  }
0x4a: {  	_ =	shalt  }
0x4b: {  	_ =	shalt  }
0x4c: {  	_ =	shalt  }
0x4d: {  	_ =	shalt  }
0x4e: {  	_ =	shalt  }
0x4f: {  	_ =	shalt  }
0x50: {  	_ =	shalt  }
0x51: {  	_ =	shalt  }
0x52: {  	_ =	shalt  }
0x53: {  	_ =	shalt  }
0x54: {  	_ =	shalt  }
0x55: {  	_ =	shalt  }
0x56: {  	_ =	shalt  }
0x57: {  	_ =	shalt  }
0x58: {  	_ =	shalt  }
0x59: {  	_ =	shalt  }
0x5a: {  	_ =	shalt  }
0x5b: {  	_ =	shalt  }
0x5c: {  	_ =	shalt  }
0x5d: {  	_ =	shalt  }
0x5e: {  	_ =	shalt  }
0x5f: {  	_ =	shalt  }
0x60: {  	_ =	shalt  }
0x61: {  	_ =	shalt  }
0x62: {  	_ =	shalt  }
0x63: {  	_ =	shalt  }
0x64: {  	_ =	shalt  }
0x65: {  	_ =	shalt  }
0x66: {  	_ =	shalt  }
0x67: {  	_ =	shalt  }
0x68: {  	_ =	shalt  }
0x69: {  	_ =	shalt  }
0x6a: {  	_ =	shalt  }
0x6b: {  	_ =	shalt  }
0x6c: {  	_ =	shalt  }
0x6d: {  	_ =	shalt  }
0x6e: {  	_ =	shalt  }
0x6f: {  	_ =	shalt  }
0x70: {  	_ =	shalt  }
0x71: {  	_ =	shalt  }
0x72: {  	_ =	shalt  }
0x73: {  	_ =	shalt  }
0x74: {  	_ =	shalt  }
0x75: {  	_ =	shalt  }
0x76: {  	_ =	shalt  }
0x77: {  	_ =	shalt  }
0x78: {  	_ =	shalt  }
0x79: {  	_ =	shalt  }
0x7a: {  	_ =	shalt  }
0x7b: {  	_ =	shalt  }
0x7c: {  	_ =	shalt  }
0x7d: {  	_ =	shalt  }
0x7e: {  	_ =	shalt  }
0x7f: {  	_ =	shalt  }
0x80: {  	_ =	shalt  }
0x81: {  	_ =	shalt  }
0x82: {  	_ =	shalt  }
0x83: {  	_ =	shalt  }
0x84: {  	_ =	shalt  }
0x85: {  	_ =	shalt  }
0x86: {  	_ =	shalt  }
0x87: {  	_ =	shalt  }
.Lfunc_end0:
.L_simem_size_0:
called_computation_lowered:
.L_overlay_start_0:
0x88: {  	s2 =	sld [smem:$0x3FD9]  }
0x89: {  	s3 =	sld [smem:$0x3FFE];
	_ =	sdelay $0x1  }
0x8a: {  	s1 =	srdreg.scid  }
0x8b: {  	s0 =	sand.u32 $0x1, s1  }
0x8c: {  	s17 =	sshll.u32 s0, $0xA;
	s2 =	sadd.s32 s3, s2  }
0x8d: {  	s2 =	sadd.s32 s2, s17  }
0x8e: {  	[smem:$0x3FC6] =	sst s2  }
0x8f: {  	_ = 	snop  }
0x90: {  	s2 =	sld [smem:$0x3FC8]  }
0x91: {  	s18 =	sld [smem:$0x3FD0];
	(tm) =	ssettm $0x1  }
0x92: {  	s4 =	sld [smem:$0x3FFB];
	_ =	sdelay $0x3  }
0x93: {  	_ =	strace s4  }
0x94: {  	s4 =	sld [smem:$0x3FFC];
	_ =	sdelay $0x3  }
0x95: {  	_ =	strace s4  }
0x96: {  	s4 =	sld [smem:$0x3FFD];
	_ =	sdelay $0x3  }
0x97: {  	_ =	strace s4  }
0x98: {  	_ =	strace $0x8FFFFFFF  }
0x99: {  	s19 =	sld [smem:$0x3FDB];
	_ =	sdelay $0x1  }
0x9a: {  	s5 =	simm.s32 $_scs_section_size  }
0x9b: {  	s6 =	simm.s32 $_size__tile_overlayer_lowered;
	s7 =	simm.s32 $_tile_overlayer_lowered  }
0x9c: {  	s22 =	simm.s32 $0x1BFF;
	s21 =	sshll.u32 s7, $0x1;
	s4 =	sadd.s32 s5, s19  }
0x9d: {  	s8 =	simm.s32 $0x0;
	s20 =	sshll.u32 s6, $0x1;
	s6 =	sadd.s32 s21, s4  }
0x9e: {  	[timem:s8], [sflag:s22] =	dma.local [hbm:s6], s20  }
0x9f: {  	_ =	swait.ge [sflag:s22], s20  }
0xa0: {  	s5 =	ssub.s32 $0x0, s20;
	[sflag:s22] =	ssyncset.done $0x0  }
0xa1: {  	[sflag:s22] =	ssyncadd.s32 s5;
	_ =	sdelay $0x1  }
0xa2: {  	s23 =	simm.s32 $0x1B8B  }
0xa3: {  	_ =	swait.ge [sflag:s23], $0x1  }
0xa4: {  	[sflag:s23] =	ssyncset.done $0x0  }
0xa5: {  	s25 =	simm.s32 $0x1B8E;
	s24 =	sld [smem:$0x3FFE];
	[sflag:s23] =	ssyncadd.s32 $0xFFFFFFFF  }
0xa6: {  	s26 =	simm.s32 $execute0_lowered;
	[smem:$0x3FD2] =	sst s25  }
0xa7: {  	s6 =	sshll.u32 s26, $0x1;
	_ =	strace $0x80000046;
	[dreg:$0x1] =	wrdreg $0xFFFFFFFF  }
0xa8: {  	s28 =	simm.s32 $_size_execute0_lowered;
	s4 =	sadd.s32 s4, s6;
	[dreg:$0x0] =	wrdreg $0x0  }
0xa9: {  	s6 =	sshll.u32 s28, $0x1;
	[dreg:$0x2] =	wrdreg s4  }
0xaa: {  	[dreg:$0x3] =	wrdreg s6  }
0xab: {  	[dreg:$0x4] =	wrdreg $0xC0  }
0xac: {  	_ =	task [dreg:s8], $0x5FFFF  }
0xad: {  	[dreg:$0x1] =	wrdreg $0xFFFFFFFF  }
0xae: {  	[dreg:$0x0] =	wrdreg $0x60  }
0xaf: {  	[dreg:$0x2] =	wrdreg s24  }
0xb0: {  	[dreg:$0x3] =	wrdreg s2  }
0xb1: {  	[dreg:$0x4] =	wrdreg s18  }
0xb2: {  	[dreg:$0x5] =	wrdreg $0x9  }
0xb3: {  	_ =	task.clear_ibuf [dreg:s8], $0x6FFFF;
	_ =	strace $0x90000046  }
0xb4: {  	s29 =	simm.s32 $0x9;
	_ =	strace $0x80000048  }
0xb5: {  	_ =	swait.ge [sflag:s29], $0x1  }
0xb6: {  	[sflag:s29] =	ssyncadd.s32 $0xFFFFFFFF  }
0xb7: {  	_ =	strace $0x90000048  }
0xb8: {  	_ =	sfence  }
0xb9: {  	s30 =	sld [smem:$0x0];
	_ =	sdelay $0x2  }
0xba: {  	s31 =	sshll.u32 s1, $0xD;
	s1 =	sshrl.u32 s1, $0x2  }
0xbb: {  	s3 =	sand.u32 $0x4000, s31;
	s1 =	sadd.s32 s1, s30  }
0xbc: {  	s0 =	sor.u32 s3, s0;
	s1 =	sshll.u32 s1, $0x11  }
0xbd: {  	s0 =	sor.u32 s1, s0  }
0xbe: {  	s0 =	sadd.s32 $0x8F2B, s0  }
0xbf: {  	[sflag:s0] =	ssyncadd.remote.s32 $0x1  }
0xc0: {  	_ =	sfence.sel $0xFFFF  }
0xc1: {  	[dreg:$0x0] =	wrdreg $0xFFFFFFFF;
	(pc) =	sbr.abs _section_cstart, $3  }
0xc2: {  	[dreg:$0x1] =	wrdreg $0xFFFFFFFF  }
0xc3: {  	_ =	task.clear_ibuf [dreg:s8], $0x2FFFF;
	_ =	strace $0x9FFFFFFF  }
0xc4: {  	(tm) =	ssettm $0x7FFFFFFF  }
0xc5: {  	_ =	shalt  }
tec
execute0_lowered:
.L_overlay_start_1:
0x0: {  	(tag) =	ssettag $0x1  }
0x1: {  	s3 =	rddreg [dreg:$0x0]  }
0x2: {  	s0 =	rddreg [dreg:$0x1]  }
0x3: {  	s5 =	rddreg [dreg:$0x2];
	s2 =	srdreg.scid  }
0x4: {  	s29 =	rddreg [dreg:$0x3];
	s1 =	stileid.u32  }
0x5: {  	p0 =	por $0x0, $0x0;
	[dreg:$0x4] =	wrdreg s0;
	s8 =	sand.u32 $0x1, s2  }
0x6: {  	s2 =	simm.s32 $0x0;
	s4 =	sshll.u32 s1, $0x3;
	s10 =	sadd.s32 $0x800, s5  }
0x7: {  	s11 =	sadd.s32 $0x1000, s5;
	s12 =	sadd.s32 $0x1800, s5;
	s6 =	sshll.u32 s8, $0x2  }
0x8: {  	[smem:$0x7FF] =	sst s2;
	s8 =	ssub.s32 $0x2, s8;
	s6 =	sor.u32 s6, s4  }
0x9: {  	_ =	strace $0x80000047;
	s4 =	sshll.u32 s6, $0xD;
	s7 =	sor.u32 $0x1, s6  }
0xa: {  	s26 =	sor.u32 $0x2, s6;
	s28 =	sor.u32 $0x3, s6;
	s9 =	sadd.s32 s5, s4  }
0xb: {  	v0 =	vmov s6;
	s6 =	simm.s32 $0x9;
	s13 =	sadd.s32 s4, s10;
	[dreg:$0x5] =	wrdreg s9  }
0xc: {  	s14 =	sadd.s32 s4, s11;
	s4 =	sadd.s32 s4, s12;
	[dreg:$0x6] =	wrdreg s13  }
0xd: {  	s15 =	sshll.u32 s7, $0xD;
	s18 =	sshll.u32 s26, $0xD;
	[dreg:$0x7] =	wrdreg s14  }
0xe: {  	s23 =	sshll.u32 s28, $0xD;
	v1 =	vmov s7;
	s7 =	simm.s32 $0xB;
	[dreg:$0x8] =	wrdreg s4  }
0xf: {  	s13 =	sadd.s32 s5, s15;
	s4 =	sadd.s32 $0x600, s3;
	s16 =	sadd.s32 s15, s10  }
0x10: {  	s17 =	sadd.s32 s15, s11;
	s9 =	sadd.s32 s15, s12;
	[dreg:$0x9] =	wrdreg s13  }
0x11: {  	s19 =	sadd.s32 s5, s18;
	s14 =	sshrl.u32 s8, $0x1;
	[dreg:$0xa] =	wrdreg s16  }
0x12: {  	s20 =	sadd.s32 s18, s10;
	s21 =	sadd.s32 s18, s11;
	[dreg:$0xb] =	wrdreg s17  }
0x13: {  	s22 =	sadd.s32 s18, s12;
	s5 =	sadd.s32 s5, s23;
	[dreg:$0xc] =	wrdreg s9  }
0x14: {  	s24 =	sadd.s32 s23, s10;
	s15 =	sadd.s32 $0x1600, s3;
	[dreg:$0xd] =	wrdreg s19  }
0x15: {  	s25 =	sadd.s32 s23, s11;
	s30 =	sadd.s32 s23, s12;
	[dreg:$0xe] =	wrdreg s20  }
0x16: {  	s18 =	simm.s32 $0x2;
	s23 =	simm.s32 $0x10080;
	[dreg:$0xf] =	wrdreg s21  }
0x17: {  	s12 =	simm.s32 $0x4;
	s10 =	simm.s32 $0x7;
	[dreg:$0x10] =	wrdreg s22  }
0x18: {  	s11 =	simm.s32 $0x8;
	s8 =	ssub.s32 s8, s14;
	[dreg:$0x11] =	wrdreg s5  }
0x19: {  	s17 =	sadd.s32 $0xE00, s3;
	[dreg:$0x12] =	wrdreg s24;
	s31 =	smax.u32 s8, $0x1  }
0x1a: {  	s5 =	sadd.s32 $0x1E00, s3;
	[dreg:$0x13] =	wrdreg s25;
	p1 =	sne.s32 s31, $0x1  }
.Ltmp0:
0x1b: {  	[dreg:$0x14] =	wrdreg s30;
	s25 =	simm.s32 $0xD;
	(pc) =	sbr.rel @!p1 .LBB2_5-.Ltmp0, $4  }
0x1c: {  	s19 =	simm.s32 $0x80;
	s16 =	simm.s32 $0x4080;
	s20 =	simm.s32 $0x1  }
0x1d: {  	s9 =	simm.s32 $0x8080;
	s3 =	simm.s32 $0xC080;
	s14 =	simm.s32 $0x3  }
0x1e: {  	v0 =	vbroadcast v0, $0x0;
	v4 =	vmov s26;
	s21 =	simm.s32 $0x14080;
	s24 =	simm.s32 $0x5;
	s22 =	simm.s32 $0x6  }
0x1f: {  	v2 =	vmov s28;
	v3 =	vbroadcast v1, $0x0;
	v1 =	vbroadcast v4, $0x0;
	s13 =	simm.s32 $0xC;
	s8 =	simm.s32 $0xA;
	s26 =	sadd.s32 $0xFFFFFFFF, s31  }
0x20: {  	s28 =	rddreg [dreg:$0x4]  }
0x21: {  	[tilespmem:s2], [sflag:$0xD] =	stream.linear.gather [hbm4b:s28+s2], $0x80, $0x38;
	[tilespmem:$0x18080] =	vst v63  }
0x22: {  	_ =	swait.ge [sflag:s25], $0x80  }
0x23: {  	[sflag:s25] =	ssyncset.done $0x0  }
0x24: {  	[sflag:s25] =	ssyncadd.s32 $0xFFFFFF80  }
0x25: {  	v4 =	vld.idx.msk [tilespmem:v0+s2+$0x0], $0xffff;
	_ =	sdelay $0x4  }
0x26: {  	(v2sf) =	vpush v4, $0x0;
	_ =	sdelay $0xe  }
0x27: {  	s30 =	spop (v2sf)  }
0x28: {  	s28 =	sshll.u32 s30, $0xD  }
0x29: {  	v5 =	vld.idx.msk [tilespmem:v2+s2+$0x0], $0xffff;
	s28 =	sand.u32 $0x1FFFE000, s28  }
0x2a: {  	v4 =	vld.idx.msk [tilespmem:v3+s2+$0x0], $0xffff;
	s29 =	sadd.s32 s4, s28  }
0x2b: {  	v6 =	vld.idx.msk [tilespmem:v1+s2+$0x0], $0xffff;
	[tilespmem:s19], [sflag:$0x1] =	stream.linear.gather [hbm4b:s29+s2], $0x4000, $0x38  }
0x2c: {  	s31 =	sadd.s32 s28, s17  }
0x2d: {  	[tilespmem:s16], [sflag:$0x2] =	stream.linear.gather [hbm4b:s31+s2], $0x4000, $0x38;
	[tilespmem:$0x18080] =	vst v63  }
0x2e: {  	_ =	swait.ge [sflag:s20], $0x4000  }
0x2f: {  	(v2sf) =	vpush v4, $0x0;
	[sflag:s20] =	ssyncset.done $0x0  }
0x30: {  	s0 =	rddreg [dreg:$0x5];
	[sflag:s20] =	ssyncadd.s32 $0xFFFFC000  }
0x31: {  	(v2sf) =	vpush v5, $0x0;
	[hbm4b:s0+s2] =	stream.linear.scatter [tilespmem:s19], [sflag:$0x7], $0x4000, $0x38;
	[tilespmem:$0x18080] =	vst v63  }
0x32: {  	s30 =	sadd.s32 s28, s15;
	(v2sf) =	vpush v6, $0x0  }
0x33: {  	[tilespmem:s9], [sflag:$0x3] =	stream.linear.gather [hbm4b:s30+s2], $0x4000, $0x38;
	[tilespmem:$0x18080] =	vst v63  }
0x34: {  	_ =	swait.ge [sflag:s18], $0x4000  }
0x35: {  	[sflag:s18] =	ssyncset.done $0x0  }
0x36: {  	s31 =	rddreg [dreg:$0x6];
	[sflag:s18] =	ssyncadd.s32 $0xFFFFC000  }
0x37: {  	[hbm4b:s31+s2] =	stream.linear.scatter [tilespmem:s16], [sflag:$0x8], $0x4000, $0x38;
	[tilespmem:$0x18080] =	vst v63  }
0x38: {  	s28 =	sadd.s32 s28, s5  }
0x39: {  	[tilespmem:s3], [sflag:$0x4] =	stream.linear.gather [hbm4b:s28+s2], $0x4000, $0x38;
	[tilespmem:$0x18080] =	vst v63  }
0x3a: {  	_ =	swait.ge [sflag:s14], $0x4000  }
0x3b: {  	[sflag:s14] =	ssyncset.done $0x0  }
0x3c: {  	s0 =	rddreg [dreg:$0x7];
	[sflag:s14] =	ssyncadd.s32 $0xFFFFC000  }
0x3d: {  	[hbm4b:s0+s2] =	stream.linear.scatter [tilespmem:s9], [sflag:$0x9], $0x4000, $0x38;
	[tilespmem:$0x18080] =	vst v63  }
0x3e: {  	s31 =	spop (v2sf)  }
0x3f: {  	s30 =	sshll.u32 s31, $0xD  }
0x40: {  	s28 =	spop (v2sf);
	s30 =	sand.u32 $0x1FFFE000, s30  }
0x41: {  	s29 =	spop (v2sf);
	s31 =	sadd.s32 s4, s30  }
0x42: {  	[tilespmem:s23], [sflag:$0x5] =	stream.linear.gather [hbm4b:s31+s2], $0x4000, $0x38;
	[tilespmem:$0x18080] =	vst v63  }
0x43: {  	_ =	swait.ge [sflag:s12], $0x4000  }
0x44: {  	[sflag:s12] =	ssyncset.done $0x0  }
0x45: {  	s0 =	rddreg [dreg:$0x8];
	[sflag:s12] =	ssyncadd.s32 $0xFFFFC000  }
0x46: {  	[hbm4b:s0+s2] =	stream.linear.scatter [tilespmem:s3], [sflag:$0xA], $0x4000, $0x38;
	[tilespmem:$0x18080] =	vst v63  }
0x47: {  	s0 =	sadd.s32 s30, s17  }
0x48: {  	[tilespmem:s21], [sflag:$0x6] =	stream.linear.gather [hbm4b:s0+s2], $0x4000, $0x38;
	[tilespmem:$0x18080] =	vst v63  }
0x49: {  	_ =	swait.ge [sflag:s24], $0x4000  }
0x4a: {  	[sflag:s24] =	ssyncset.done $0x0  }
0x4b: {  	s0 =	rddreg [dreg:$0x9];
	[sflag:s24] =	ssyncadd.s32 $0xFFFFC000  }
0x4c: {  	[hbm4b:s0+s2] =	stream.linear.scatter [tilespmem:s23], [sflag:$0xB], $0x4000, $0x38;
	[tilespmem:$0x18080] =	vst v63  }
0x4d: {  	_ =	swait.ge [sflag:s10], $0x4000  }
0x4e: {  	[sflag:s10] =	ssyncset.done $0x0  }
0x4f: {  	s0 =	sadd.s32 s30, s15;
	[sflag:s10] =	ssyncadd.s32 $0xFFFFC000  }
0x50: {  	[tilespmem:s19], [sflag:$0x1] =	stream.linear.gather [hbm4b:s0+s2], $0x4000, $0x38;
	[tilespmem:$0x18080] =	vst v63  }
0x51: {  	_ =	swait.ge [sflag:s22], $0x4000  }
0x52: {  	[sflag:s22] =	ssyncset.done $0x0  }
0x53: {  	s0 =	rddreg [dreg:$0xa];
	[sflag:s22] =	ssyncadd.s32 $0xFFFFC000  }
0x54: {  	[hbm4b:s0+s2] =	stream.linear.scatter [tilespmem:s21], [sflag:$0xC], $0x4000, $0x38;
	[tilespmem:$0x18080] =	vst v63  }
0x55: {  	_ =	swait.ge [sflag:s11], $0x4000  }
0x56: {  	[sflag:s11] =	ssyncset.done $0x0  }
0x57: {  	s30 =	sadd.s32 s30, s5;
	[sflag:s11] =	ssyncadd.s32 $0xFFFFC000  }
0x58: {  	[tilespmem:s16], [sflag:$0x2] =	stream.linear.gather [hbm4b:s30+s2], $0x4000, $0x38;
	[tilespmem:$0x18080] =	vst v63  }
0x59: {  	_ =	swait.ge [sflag:s20], $0x4000  }
0x5a: {  	[sflag:s20] =	ssyncset.done $0x0  }
0x5b: {  	s31 =	rddreg [dreg:$0xb];
	[sflag:s20] =	ssyncadd.s32 $0xFFFFC000  }
0x5c: {  	[hbm4b:s31+s2] =	stream.linear.scatter [tilespmem:s19], [sflag:$0x7], $0x4000, $0x38;
	[tilespmem:$0x18080] =	vst v63  }
0x5d: {  	s29 =	sshll.u32 s29, $0xD;
	_ =	swait.ge [sflag:s6], $0x4000  }
0x5e: {  	s29 =	sand.u32 $0x1FFFE000, s29;
	[sflag:s6] =	ssyncset.done $0x0  }
0x5f: {  	s0 =	sadd.s32 s4, s29;
	[sflag:s6] =	ssyncadd.s32 $0xFFFFC000  }
0x60: {  	[tilespmem:s9], [sflag:$0x3] =	stream.linear.gather [hbm4b:s0+s2], $0x4000, $0x38;
	[tilespmem:$0x18080] =	vst v63  }
0x61: {  	_ =	swait.ge [sflag:s18], $0x4000  }
0x62: {  	[sflag:s18] =	ssyncset.done $0x0  }
0x63: {  	s31 =	rddreg [dreg:$0xc];
	[sflag:s18] =	ssyncadd.s32 $0xFFFFC000  }
0x64: {  	[hbm4b:s31+s2] =	stream.linear.scatter [tilespmem:s16], [sflag:$0x8], $0x4000, $0x38;
	[tilespmem:$0x18080] =	vst v63  }
0x65: {  	_ =	swait.ge [sflag:s8], $0x4000  }
0x66: {  	[sflag:s8] =	ssyncset.done $0x0  }
0x67: {  	s0 =	sadd.s32 s29, s17;
	[sflag:s8] =	ssyncadd.s32 $0xFFFFC000  }
0x68: {  	[tilespmem:s3], [sflag:$0x4] =	stream.linear.gather [hbm4b:s0+s2], $0x4000, $0x38;
	[tilespmem:$0x18080] =	vst v63  }
0x69: {  	_ =	swait.ge [sflag:s14], $0x4000  }
0x6a: {  	[sflag:s14] =	ssyncset.done $0x0  }
0x6b: {  	s31 =	rddreg [dreg:$0xd];
	[sflag:s14] =	ssyncadd.s32 $0xFFFFC000  }
0x6c: {  	[hbm4b:s31+s2] =	stream.linear.scatter [tilespmem:s9], [sflag:$0x9], $0x4000, $0x38;
	[tilespmem:$0x18080] =	vst v63  }
0x6d: {  	_ =	swait.ge [sflag:s7], $0x4000  }
0x6e: {  	[sflag:s7] =	ssyncset.done $0x0  }
0x6f: {  	s0 =	sadd.s32 s29, s15;
	[sflag:s7] =	ssyncadd.s32 $0xFFFFC000  }
0x70: {  	[tilespmem:s23], [sflag:$0x5] =	stream.linear.gather [hbm4b:s0+s2], $0x4000, $0x38;
	[tilespmem:$0x18080] =	vst v63  }
0x71: {  	_ =	swait.ge [sflag:s12], $0x4000  }
0x72: {  	[sflag:s12] =	ssyncset.done $0x0  }
0x73: {  	s31 =	rddreg [dreg:$0xe];
	[sflag:s12] =	ssyncadd.s32 $0xFFFFC000  }
0x74: {  	[hbm4b:s31+s2] =	stream.linear.scatter [tilespmem:s3], [sflag:$0xA], $0x4000, $0x38;
	[tilespmem:$0x18080] =	vst v63  }
0x75: {  	_ =	swait.ge [sflag:s13], $0x4000  }
0x76: {  	[sflag:s13] =	ssyncset.done $0x0  }
0x77: {  	s29 =	sadd.s32 s29, s5;
	[sflag:s13] =	ssyncadd.s32 $0xFFFFC000  }
0x78: {  	[tilespmem:s21], [sflag:$0x6] =	stream.linear.gather [hbm4b:s29+s2], $0x4000, $0x38;
	[tilespmem:$0x18080] =	vst v63  }
0x79: {  	_ =	swait.ge [sflag:s24], $0x4000  }
0x7a: {  	[sflag:s24] =	ssyncset.done $0x0  }
0x7b: {  	s0 =	rddreg [dreg:$0xf];
	[sflag:s24] =	ssyncadd.s32 $0xFFFFC000  }
0x7c: {  	[hbm4b:s0+s2] =	stream.linear.scatter [tilespmem:s23], [sflag:$0xB], $0x4000, $0x38;
	[tilespmem:$0x18080] =	vst v63  }
0x7d: {  	s28 =	sshll.u32 s28, $0xD;
	_ =	swait.ge [sflag:s10], $0x4000  }
0x7e: {  	s28 =	sand.u32 $0x1FFFE000, s28;
	[sflag:s10] =	ssyncset.done $0x0  }
0x7f: {  	s30 =	sadd.s32 s4, s28;
	[sflag:s10] =	ssyncadd.s32 $0xFFFFC000  }
0x80: {  	[tilespmem:s19], [sflag:$0x1] =	stream.linear.gather [hbm4b:s30+s2], $0x4000, $0x38;
	[tilespmem:$0x18080] =	vst v63  }
0x81: {  	_ =	swait.ge [sflag:s22], $0x4000  }
0x82: {  	[sflag:s22] =	ssyncset.done $0x0  }
0x83: {  	s31 =	rddreg [dreg:$0x10];
	[sflag:s22] =	ssyncadd.s32 $0xFFFFC000  }
0x84: {  	[hbm4b:s31+s2] =	stream.linear.scatter [tilespmem:s21], [sflag:$0xC], $0x4000, $0x38;
	[tilespmem:$0x18080] =	vst v63  }
0x85: {  	_ =	swait.ge [sflag:s11], $0x4000  }
0x86: {  	[sflag:s11] =	ssyncset.done $0x0  }
0x87: {  	s0 =	sadd.s32 s28, s17;
	[sflag:s11] =	ssyncadd.s32 $0xFFFFC000  }
0x88: {  	[tilespmem:s16], [sflag:$0x2] =	stream.linear.gather [hbm4b:s0+s2], $0x4000, $0x38;
	[tilespmem:$0x18080] =	vst v63  }
0x89: {  	_ =	swait.ge [sflag:s20], $0x4000  }
0x8a: {  	[sflag:s20] =	ssyncset.done $0x0  }
0x8b: {  	s30 =	rddreg [dreg:$0x11];
	[sflag:s20] =	ssyncadd.s32 $0xFFFFC000  }
0x8c: {  	[hbm4b:s30+s2] =	stream.linear.scatter [tilespmem:s19], [sflag:$0x7], $0x4000, $0x38;
	[tilespmem:$0x18080] =	vst v63  }
0x8d: {  	_ =	swait.ge [sflag:s6], $0x4000  }
0x8e: {  	[sflag:s6] =	ssyncset.done $0x0  }
0x8f: {  	s31 =	sadd.s32 s28, s15;
	[sflag:s6] =	ssyncadd.s32 $0xFFFFC000  }
0x90: {  	[tilespmem:s9], [sflag:$0x3] =	stream.linear.gather [hbm4b:s31+s2], $0x4000, $0x38;
	[tilespmem:$0x18080] =	vst v63  }
0x91: {  	_ =	swait.ge [sflag:s18], $0x4000  }
0x92: {  	[sflag:s18] =	ssyncset.done $0x0  }
0x93: {  	s0 =	rddreg [dreg:$0x12];
	[sflag:s18] =	ssyncadd.s32 $0xFFFFC000  }
0x94: {  	[hbm4b:s0+s2] =	stream.linear.scatter [tilespmem:s16], [sflag:$0x8], $0x4000, $0x38;
	[tilespmem:$0x18080] =	vst v63  }
0x95: {  	_ =	swait.ge [sflag:s8], $0x4000  }
0x96: {  	[sflag:s8] =	ssyncset.done $0x0  }
0x97: {  	s28 =	sadd.s32 s28, s5;
	[sflag:s8] =	ssyncadd.s32 $0xFFFFC000  }
0x98: {  	[tilespmem:s3], [sflag:$0x4] =	stream.linear.gather [hbm4b:s28+s2], $0x4000, $0x38;
	[tilespmem:$0x18080] =	vst v63  }
0x99: {  	_ =	swait.ge [sflag:s14], $0x4000  }
0x9a: {  	[sflag:s14] =	ssyncset.done $0x0  }
0x9b: {  	s30 =	rddreg [dreg:$0x13];
	[sflag:s14] =	ssyncadd.s32 $0xFFFFC000  }
0x9c: {  	[hbm4b:s30+s2] =	stream.linear.scatter [tilespmem:s9], [sflag:$0x9], $0x4000, $0x38;
	[tilespmem:$0x18080] =	vst v63  }
0x9d: {  	_ =	swait.ge [sflag:s12], $0x4000  }
0x9e: {  	[sflag:s12] =	ssyncset.done $0x0  }
0x9f: {  	s31 =	rddreg [dreg:$0x14];
	[sflag:s12] =	ssyncadd.s32 $0xFFFFC000  }
0xa0: {  	[hbm4b:s31+s2] =	stream.linear.scatter [tilespmem:s3], [sflag:$0xA], $0x4000, $0x38;
	[tilespmem:$0x18080] =	vst v63  }
0xa1: {  	_ =	swait.ge [sflag:s10], $0x4000  }
0xa2: {  	[sflag:s10] =	ssyncset.done $0x0  }
0xa3: {  	[sflag:s10] =	ssyncadd.s32 $0xFFFFC000  }
0xa4: {  	_ =	swait.ge [sflag:s11], $0x4000  }
0xa5: {  	[sflag:s11] =	ssyncset.done $0x0  }
0xa6: {  	[sflag:s11] =	ssyncadd.s32 $0xFFFFC000  }
0xa7: {  	_ =	swait.ge [sflag:s6], $0x4000  }
0xa8: {  	[sflag:s6] =	ssyncset.done $0x0  }
0xa9: {  	[sflag:s6] =	ssyncadd.s32 $0xFFFFC000  }
0xaa: {  	_ =	swait.ge [sflag:s8], $0x4000  }
0xab: {  	p1 =	sne.s32 s26, $0x1;
	[sflag:s8] =	ssyncset.done $0x0  }
.Ltmp1:
0xac: {  	[sflag:s8] =	ssyncadd.s32 $0xFFFFC000;
	(pc) =	sbr.rel @!p1 .LBB2_2-.Ltmp1, $4  }
0xad: {  	_ =	swait.ge [sflag:s7], $0x4000  }
0xae: {  	[sflag:s7] =	ssyncset.done $0x0  }
0xaf: {  	[sflag:s7] =	ssyncadd.s32 $0xFFFFC000  }
0xb0: {  	s26 =	sadd.s32 $0xFFFFFFFF, s26;
	p0 =	por $0x1, $0x1;
	_ =	swait.ge [sflag:s13], $0x4000  }
.LBB2_3:
0xb1: {  	[sflag:s13] =	ssyncset.done $0x0  }
0xb2: {  	s28 =	rddreg [dreg:$0x4];
	[sflag:s13] =	ssyncadd.s32 $0xFFFFC000  }
0xb3: {  	[tilespmem:s2], [sflag:$0xD] =	stream.linear.gather [hbm4b:s28+s2], $0x80, $0x38;
	[tilespmem:$0x18080] =	vst v63  }
0xb4: {  	_ =	swait.ge [sflag:s25], $0x80  }
0xb5: {  	[sflag:s25] =	ssyncset.done $0x0  }
0xb6: {  	[sflag:s25] =	ssyncadd.s32 $0xFFFFFF80  }
0xb7: {  	v4 =	vld.idx.msk [tilespmem:v0+s2+$0x0], $0xffff;
	_ =	sdelay $0x4  }
0xb8: {  	(v2sf) =	vpush v4, $0x0;
	_ =	sdelay $0xe  }
0xb9: {  	s30 =	spop (v2sf)  }
0xba: {  	s28 =	sshll.u32 s30, $0xD  }
0xbb: {  	v5 =	vld.idx.msk [tilespmem:v2+s2+$0x0], $0xffff;
	s28 =	sand.u32 $0x1FFFE000, s28  }
0xbc: {  	v4 =	vld.idx.msk [tilespmem:v3+s2+$0x0], $0xffff;
	s29 =	sadd.s32 s4, s28  }
0xbd: {  	v6 =	vld.idx.msk [tilespmem:v1+s2+$0x0], $0xffff;
	[tilespmem:s19], [sflag:$0x1] =	stream.linear.gather [hbm4b:s29+s2], $0x4000, $0x38  }
0xbe: {  	s31 =	sadd.s32 s28, s17  }
0xbf: {  	[tilespmem:s16], [sflag:$0x2] =	stream.linear.gather [hbm4b:s31+s2], $0x4000, $0x38;
	[tilespmem:$0x18080] =	vst v63  }
0xc0: {  	_ =	swait.ge [sflag:s20], $0x4000  }
0xc1: {  	(v2sf) =	vpush v4, $0x0;
	[sflag:s20] =	ssyncset.done $0x0  }
0xc2: {  	s0 =	rddreg [dreg:$0x5];
	[sflag:s20] =	ssyncadd.s32 $0xFFFFC000  }
0xc3: {  	(v2sf) =	vpush v5, $0x0;
	[hbm4b:s0+s2] =	stream.linear.scatter [tilespmem:s19], [sflag:$0x7], $0x4000, $0x38;
	[tilespmem:$0x18080] =	vst v63  }
0xc4: {  	s30 =	sadd.s32 s28, s15;
	(v2sf) =	vpush v6, $0x0  }
0xc5: {  	[tilespmem:s9], [sflag:$0x3] =	stream.linear.gather [hbm4b:s30+s2], $0x4000, $0x38;
	[tilespmem:$0x18080] =	vst v63  }
0xc6: {  	_ =	swait.ge [sflag:s18], $0x4000  }
0xc7: {  	[sflag:s18] =	ssyncset.done $0x0  }
0xc8: {  	s31 =	rddreg [dreg:$0x6];
	[sflag:s18] =	ssyncadd.s32 $0xFFFFC000  }
0xc9: {  	[hbm4b:s31+s2] =	stream.linear.scatter [tilespmem:s16], [sflag:$0x8], $0x4000, $0x38;
	[tilespmem:$0x18080] =	vst v63  }
0xca: {  	s28 =	sadd.s32 s28, s5  }
0xcb: {  	[tilespmem:s3], [sflag:$0x4] =	stream.linear.gather [hbm4b:s28+s2], $0x4000, $0x38;
	[tilespmem:$0x18080] =	vst v63  }
0xcc: {  	_ =	swait.ge [sflag:s14], $0x4000  }
0xcd: {  	[sflag:s14] =	ssyncset.done $0x0  }
0xce: {  	s28 =	rddreg [dreg:$0x7];
	[sflag:s14] =	ssyncadd.s32 $0xFFFFC000  }
0xcf: {  	[hbm4b:s28+s2] =	stream.linear.scatter [tilespmem:s9], [sflag:$0x9], $0x4000, $0x38;
	[tilespmem:$0x18080] =	vst v63  }
0xd0: {  	s0 =	spop (v2sf)  }
0xd1: {  	s29 =	sshll.u32 s0, $0xD  }
0xd2: {  	s30 =	spop (v2sf);
	s31 =	sand.u32 $0x1FFFE000, s29  }
0xd3: {  	s29 =	sshll.u32 s30, $0xD;
	s30 =	spop (v2sf);
	s0 =	sadd.s32 s4, s31  }
0xd4: {  	[tilespmem:s23], [sflag:$0x5] =	stream.linear.gather [hbm4b:s0+s2], $0x4000, $0x38;
	[tilespmem:$0x18080] =	vst v63  }
0xd5: {  	_ =	swait.ge [sflag:s12], $0x4000  }
0xd6: {  	[sflag:s12] =	ssyncset.done $0x0  }
0xd7: {  	s30 =	sshll.u32 s30, $0xD;
	s0 =	rddreg [dreg:$0x8];
	[sflag:s12] =	ssyncadd.s32 $0xFFFFC000  }
0xd8: {  	[hbm4b:s0+s2] =	stream.linear.scatter [tilespmem:s3], [sflag:$0xA], $0x4000, $0x38;
	[tilespmem:$0x18080] =	vst v63  }
0xd9: {  	s28 =	sand.u32 $0x1FFFE000, s29;
	s29 =	sand.u32 $0x1FFFE000, s30;
	s30 =	sadd.s32 s31, s17  }
0xda: {  	[tilespmem:s21], [sflag:$0x6] =	stream.linear.gather [hbm4b:s30+s2], $0x4000, $0x38;
	[tilespmem:$0x18080] =	vst v63  }
0xdb: {  	_ =	swait.ge [sflag:s24], $0x4000  }
0xdc: {  	[sflag:s24] =	ssyncset.done $0x0  }
0xdd: {  	s30 =	rddreg [dreg:$0x9];
	[sflag:s24] =	ssyncadd.s32 $0xFFFFC000  }
0xde: {  	[hbm4b:s30+s2] =	stream.linear.scatter [tilespmem:s23], [sflag:$0xB], $0x4000, $0x38;
	[tilespmem:$0x18080] =	vst v63  }
0xdf: {  	_ =	swait.ge [sflag:s10], $0x4000  }
0xe0: {  	[sflag:s10] =	ssyncset.done $0x0  }
0xe1: {  	s30 =	sadd.s32 s31, s15;
	[sflag:s10] =	ssyncadd.s32 $0xFFFFC000  }
0xe2: {  	[tilespmem:s19], [sflag:$0x1] =	stream.linear.gather [hbm4b:s30+s2], $0x4000, $0x38;
	[tilespmem:$0x18080] =	vst v63  }
0xe3: {  	_ =	swait.ge [sflag:s22], $0x4000  }
0xe4: {  	[sflag:s22] =	ssyncset.done $0x0  }
0xe5: {  	s30 =	rddreg [dreg:$0xa];
	[sflag:s22] =	ssyncadd.s32 $0xFFFFC000  }
0xe6: {  	[hbm4b:s30+s2] =	stream.linear.scatter [tilespmem:s21], [sflag:$0xC], $0x4000, $0x38;
	[tilespmem:$0x18080] =	vst v63  }
0xe7: {  	_ =	swait.ge [sflag:s11], $0x4000  }
0xe8: {  	[sflag:s11] =	ssyncset.done $0x0  }
0xe9: {  	s30 =	sadd.s32 s31, s5;
	[sflag:s11] =	ssyncadd.s32 $0xFFFFC000  }
0xea: {  	[tilespmem:s16], [sflag:$0x2] =	stream.linear.gather [hbm4b:s30+s2], $0x4000, $0x38;
	[tilespmem:$0x18080] =	vst v63  }
0xeb: {  	_ =	swait.ge [sflag:s20], $0x4000  }
0xec: {  	[sflag:s20] =	ssyncset.done $0x0  }
0xed: {  	s31 =	rddreg [dreg:$0xb];
	[sflag:s20] =	ssyncadd.s32 $0xFFFFC000  }
0xee: {  	[hbm4b:s31+s2] =	stream.linear.scatter [tilespmem:s19], [sflag:$0x7], $0x4000, $0x38;
	[tilespmem:$0x18080] =	vst v63  }
0xef: {  	_ =	swait.ge [sflag:s6], $0x4000  }
0xf0: {  	[sflag:s6] =	ssyncset.done $0x0  }
0xf1: {  	s30 =	sadd.s32 s4, s29;
	[sflag:s6] =	ssyncadd.s32 $0xFFFFC000  }
0xf2: {  	[tilespmem:s9], [sflag:$0x3] =	stream.linear.gather [hbm4b:s30+s2], $0x4000, $0x38;
	[tilespmem:$0x18080] =	vst v63  }
0xf3: {  	_ =	swait.ge [sflag:s18], $0x4000  }
0xf4: {  	[sflag:s18] =	ssyncset.done $0x0  }
0xf5: {  	s31 =	rddreg [dreg:$0xc];
	[sflag:s18] =	ssyncadd.s32 $0xFFFFC000  }
0xf6: {  	[hbm4b:s31+s2] =	stream.linear.scatter [tilespmem:s16], [sflag:$0x8], $0x4000, $0x38;
	[tilespmem:$0x18080] =	vst v63  }
0xf7: {  	_ =	swait.ge [sflag:s8], $0x4000  }
0xf8: {  	[sflag:s8] =	ssyncset.done $0x0  }
0xf9: {  	s30 =	sadd.s32 s29, s17;
	[sflag:s8] =	ssyncadd.s32 $0xFFFFC000  }
0xfa: {  	[tilespmem:s3], [sflag:$0x4] =	stream.linear.gather [hbm4b:s30+s2], $0x4000, $0x38;
	[tilespmem:$0x18080] =	vst v63  }
0xfb: {  	_ =	swait.ge [sflag:s14], $0x4000  }
0xfc: {  	[sflag:s14] =	ssyncset.done $0x0  }
0xfd: {  	s31 =	rddreg [dreg:$0xd];
	[sflag:s14] =	ssyncadd.s32 $0xFFFFC000  }
0xfe: {  	[hbm4b:s31+s2] =	stream.linear.scatter [tilespmem:s9], [sflag:$0x9], $0x4000, $0x38;
	[tilespmem:$0x18080] =	vst v63  }
0xff: {  	_ =	swait.ge [sflag:s7], $0x4000  }
0x100: {  	[sflag:s7] =	ssyncset.done $0x0  }
0x101: {  	s30 =	sadd.s32 s29, s15;
	[sflag:s7] =	ssyncadd.s32 $0xFFFFC000  }
0x102: {  	[tilespmem:s23], [sflag:$0x5] =	stream.linear.gather [hbm4b:s30+s2], $0x4000, $0x38;
	[tilespmem:$0x18080] =	vst v63  }
0x103: {  	_ =	swait.ge [sflag:s12], $0x4000  }
0x104: {  	[sflag:s12] =	ssyncset.done $0x0  }
0x105: {  	s31 =	rddreg [dreg:$0xe];
	[sflag:s12] =	ssyncadd.s32 $0xFFFFC000  }
0x106: {  	[hbm4b:s31+s2] =	stream.linear.scatter [tilespmem:s3], [sflag:$0xA], $0x4000, $0x38;
	[tilespmem:$0x18080] =	vst v63  }
0x107: {  	_ =	swait.ge [sflag:s13], $0x4000  }
0x108: {  	[sflag:s13] =	ssyncset.done $0x0  }
0x109: {  	s30 =	sadd.s32 s29, s5;
	[sflag:s13] =	ssyncadd.s32 $0xFFFFC000  }
0x10a: {  	[tilespmem:s21], [sflag:$0x6] =	stream.linear.gather [hbm4b:s30+s2], $0x4000, $0x38;
	[tilespmem:$0x18080] =	vst v63  }
0x10b: {  	_ =	swait.ge [sflag:s24], $0x4000  }
0x10c: {  	[sflag:s24] =	ssyncset.done $0x0  }
0x10d: {  	s31 =	rddreg [dreg:$0xf];
	[sflag:s24] =	ssyncadd.s32 $0xFFFFC000  }
0x10e: {  	[hbm4b:s31+s2] =	stream.linear.scatter [tilespmem:s23], [sflag:$0xB], $0x4000, $0x38;
	[tilespmem:$0x18080] =	vst v63  }
0x10f: {  	_ =	swait.ge [sflag:s10], $0x4000  }
0x110: {  	[sflag:s10] =	ssyncset.done $0x0  }
0x111: {  	s29 =	sadd.s32 s4, s28;
	[sflag:s10] =	ssyncadd.s32 $0xFFFFC000  }
0x112: {  	[tilespmem:s19], [sflag:$0x1] =	stream.linear.gather [hbm4b:s29+s2], $0x4000, $0x38;
	[tilespmem:$0x18080] =	vst v63  }
0x113: {  	_ =	swait.ge [sflag:s22], $0x4000  }
0x114: {  	[sflag:s22] =	ssyncset.done $0x0  }
0x115: {  	s30 =	rddreg [dreg:$0x10];
	[sflag:s22] =	ssyncadd.s32 $0xFFFFC000  }
0x116: {  	[hbm4b:s30+s2] =	stream.linear.scatter [tilespmem:s21], [sflag:$0xC], $0x4000, $0x38;
	[tilespmem:$0x18080] =	vst v63  }
0x117: {  	_ =	swait.ge [sflag:s11], $0x4000  }
0x118: {  	[sflag:s11] =	ssyncset.done $0x0  }
0x119: {  	s31 =	sadd.s32 s28, s17;
	[sflag:s11] =	ssyncadd.s32 $0xFFFFC000  }
0x11a: {  	[tilespmem:s16], [sflag:$0x2] =	stream.linear.gather [hbm4b:s31+s2], $0x4000, $0x38;
	[tilespmem:$0x18080] =	vst v63  }
0x11b: {  	_ =	swait.ge [sflag:s20], $0x4000  }
0x11c: {  	[sflag:s20] =	ssyncset.done $0x0  }
0x11d: {  	s29 =	rddreg [dreg:$0x11];
	[sflag:s20] =	ssyncadd.s32 $0xFFFFC000  }
0x11e: {  	[hbm4b:s29+s2] =	stream.linear.scatter [tilespmem:s19], [sflag:$0x7], $0x4000, $0x38;
	[tilespmem:$0x18080] =	vst v63  }
0x11f: {  	_ =	swait.ge [sflag:s6], $0x4000  }
0x120: {  	[sflag:s6] =	ssyncset.done $0x0  }
0x121: {  	s30 =	sadd.s32 s28, s15;
	[sflag:s6] =	ssyncadd.s32 $0xFFFFC000  }
0x122: {  	[tilespmem:s9], [sflag:$0x3] =	stream.linear.gather [hbm4b:s30+s2], $0x4000, $0x38;
	[tilespmem:$0x18080] =	vst v63  }
0x123: {  	_ =	swait.ge [sflag:s18], $0x4000  }
0x124: {  	[sflag:s18] =	ssyncset.done $0x0  }
0x125: {  	s31 =	rddreg [dreg:$0x12];
	[sflag:s18] =	ssyncadd.s32 $0xFFFFC000  }
0x126: {  	[hbm4b:s31+s2] =	stream.linear.scatter [tilespmem:s16], [sflag:$0x8], $0x4000, $0x38;
	[tilespmem:$0x18080] =	vst v63  }
0x127: {  	_ =	swait.ge [sflag:s8], $0x4000  }
0x128: {  	[sflag:s8] =	ssyncset.done $0x0  }
0x129: {  	s29 =	sadd.s32 s28, s5;
	[sflag:s8] =	ssyncadd.s32 $0xFFFFC000  }
0x12a: {  	[tilespmem:s3], [sflag:$0x4] =	stream.linear.gather [hbm4b:s29+s2], $0x4000, $0x38;
	[tilespmem:$0x18080] =	vst v63  }
0x12b: {  	_ =	swait.ge [sflag:s14], $0x4000  }
0x12c: {  	[sflag:s14] =	ssyncset.done $0x0  }
0x12d: {  	s30 =	rddreg [dreg:$0x13];
	[sflag:s14] =	ssyncadd.s32 $0xFFFFC000  }
0x12e: {  	[hbm4b:s30+s2] =	stream.linear.scatter [tilespmem:s9], [sflag:$0x9], $0x4000, $0x38;
	[tilespmem:$0x18080] =	vst v63  }
0x12f: {  	_ =	swait.ge [sflag:s12], $0x4000  }
0x130: {  	[sflag:s12] =	ssyncset.done $0x0  }
0x131: {  	s31 =	rddreg [dreg:$0x14];
	[sflag:s12] =	ssyncadd.s32 $0xFFFFC000  }
0x132: {  	[hbm4b:s31+s2] =	stream.linear.scatter [tilespmem:s3], [sflag:$0xA], $0x4000, $0x38;
	[tilespmem:$0x18080] =	vst v63  }
0x133: {  	_ =	swait.ge [sflag:s10], $0x4000  }
0x134: {  	[sflag:s10] =	ssyncset.done $0x0  }
0x135: {  	[sflag:s10] =	ssyncadd.s32 $0xFFFFC000  }
0x136: {  	_ =	swait.ge [sflag:s11], $0x4000  }
0x137: {  	[sflag:s11] =	ssyncset.done $0x0  }
0x138: {  	[sflag:s11] =	ssyncadd.s32 $0xFFFFC000  }
0x139: {  	_ =	swait.ge [sflag:s6], $0x4000  }
0x13a: {  	[sflag:s6] =	ssyncset.done $0x0  }
0x13b: {  	[sflag:s6] =	ssyncadd.s32 $0xFFFFC000  }
0x13c: {  	_ =	swait.ge [sflag:s8], $0x4000  }
0x13d: {  	p1 =	sne.s32 s26, $0x1;
	[sflag:s8] =	ssyncset.done $0x0  }
.Ltmp2:
0x13e: {  	[sflag:s8] =	ssyncadd.s32 $0xFFFFC000;
	(pc) =	sbr.rel @p1 .LBB2_3-.Ltmp2, $4  }
0x13f: {  	_ =	swait.ge [sflag:s7], $0x4000  }
0x140: {  	[sflag:s7] =	ssyncset.done $0x0  }
0x141: {  	[sflag:s7] =	ssyncadd.s32 $0xFFFFC000  }
0x142: {  	s26 =	sadd.s32 $0xFFFFFFFF, s26;
	_ =	swait.ge [sflag:s13], $0x4000  }
0x143: {  	s29 =	rddreg [dreg:$0x3]  }
.LBB2_5:
0x144: {  	[sflag:s13] =	ssyncset.done @p0 $0x0  }
0x145: {  	s0 =	rddreg [dreg:$0x4];
	[sflag:s13] =	ssyncadd.s32 @p0 $0xFFFFC000  }
0x146: {  	[tilespmem:s2], [sflag:$0xD] =	stream.linear.gather [hbm4b:s0+s2], $0x80, $0x38;
	[tilespmem:$0x18080] =	vst v63  }
0x147: {  	_ =	swait.ge [sflag:s25], $0x80  }
0x148: {  	[sflag:s25] =	ssyncset.done $0x0  }
0x149: {  	[sflag:s25] =	ssyncadd.s32 $0xFFFFFF80  }
0x14a: {  	v0 =	vld.idx.msk [tilespmem:v0+s2+$0x0], $0xffff;
	_ =	sdelay $0x4  }
0x14b: {  	(v2sf) =	vpush v0, $0x0;
	_ =	sdelay $0xe  }
0x14c: {  	s30 =	spop (v2sf)  }
0x14d: {  	s0 =	sshll.u32 s30, $0xD  }
0x14e: {  	v63 =	vld.idx.msk [tilespmem:v3+s2+$0x0], $0xffff;
	s0 =	sand.u32 $0x1FFFE000, s0  }
0x14f: {  	v2 =	vld.idx.msk [tilespmem:v2+s2+$0x0], $0xffff;
	s31 =	sadd.s32 s4, s0  }
0x150: {  	v1 =	vld.idx.msk [tilespmem:v1+s2+$0x0], $0xffff;
	[tilespmem:s19], [sflag:$0x1] =	stream.linear.gather [hbm4b:s31+s2], $0x4000, $0x38  }
0x151: {  	s26 =	sadd.s32 s0, s17  }
0x152: {  	[tilespmem:s16], [sflag:$0x2] =	stream.linear.gather [hbm4b:s26+s2], $0x4000, $0x38;
	[tilespmem:$0x18080] =	vst v63  }
0x153: {  	_ =	swait.ge [sflag:s20], $0x4000  }
0x154: {  	[sflag:s20] =	ssyncset.done $0x0;
	(v2sf) =	vpush v63, $0x0  }
0x155: {  	s28 =	rddreg [dreg:$0x5];
	[sflag:s20] =	ssyncadd.s32 $0xFFFFC000  }
0x156: {  	(v2sf) =	vpush v2, $0x0;
	[hbm4b:s28+s2] =	stream.linear.scatter [tilespmem:s19], [sflag:$0x7], $0x4000, $0x38;
	[tilespmem:$0x18080] =	vst v63  }
0x157: {  	s30 =	sadd.s32 s0, s15;
	(v2sf) =	vpush v1, $0x0  }
0x158: {  	[tilespmem:s9], [sflag:$0x3] =	stream.linear.gather [hbm4b:s30+s2], $0x4000, $0x38;
	[tilespmem:$0x18080] =	vst v63  }
0x159: {  	_ =	swait.ge [sflag:s18], $0x4000  }
0x15a: {  	[sflag:s18] =	ssyncset.done $0x0  }
0x15b: {  	s31 =	rddreg [dreg:$0x6];
	[sflag:s18] =	ssyncadd.s32 $0xFFFFC000  }
0x15c: {  	[hbm4b:s31+s2] =	stream.linear.scatter [tilespmem:s16], [sflag:$0x8], $0x4000, $0x38;
	[tilespmem:$0x18080] =	vst v63  }
0x15d: {  	s0 =	sadd.s32 s0, s5  }
0x15e: {  	[tilespmem:s3], [sflag:$0x4] =	stream.linear.gather [hbm4b:s0+s2], $0x4000, $0x38;
	[tilespmem:$0x18080] =	vst v63  }
0x15f: {  	_ =	swait.ge [sflag:s14], $0x4000  }
0x160: {  	[sflag:s14] =	ssyncset.done $0x0  }
0x161: {  	s26 =	rddreg [dreg:$0x7];
	[sflag:s14] =	ssyncadd.s32 $0xFFFFC000  }
0x162: {  	[hbm4b:s26+s2] =	stream.linear.scatter [tilespmem:s9], [sflag:$0x9], $0x4000, $0x38;
	[tilespmem:$0x18080] =	vst v63  }
0x163: {  	s28 =	spop (v2sf)  }
0x164: {  	s0 =	sshll.u32 s28, $0xD  }
0x165: {  	s25 =	spop (v2sf);
	s0 =	sand.u32 $0x1FFFE000, s0  }
0x166: {  	s26 =	spop (v2sf);
	s30 =	sadd.s32 s4, s0  }
0x167: {  	[tilespmem:s23], [sflag:$0x5] =	stream.linear.gather [hbm4b:s30+s2], $0x4000, $0x38;
	[tilespmem:$0x18080] =	vst v63  }
0x168: {  	_ =	swait.ge [sflag:s12], $0x4000  }
0x169: {  	[sflag:s12] =	ssyncset.done $0x0  }
0x16a: {  	s28 =	rddreg [dreg:$0x8];
	[sflag:s12] =	ssyncadd.s32 $0xFFFFC000  }
0x16b: {  	[hbm4b:s28+s2] =	stream.linear.scatter [tilespmem:s3], [sflag:$0xA], $0x4000, $0x38;
	[tilespmem:$0x18080] =	vst v63  }
0x16c: {  	s31 =	sadd.s32 s0, s17  }
0x16d: {  	[tilespmem:s21], [sflag:$0x6] =	stream.linear.gather [hbm4b:s31+s2], $0x4000, $0x38;
	[tilespmem:$0x18080] =	vst v63  }
0x16e: {  	_ =	swait.ge [sflag:s24], $0x4000  }
0x16f: {  	[sflag:s24] =	ssyncset.done $0x0  }
0x170: {  	s30 =	rddreg [dreg:$0x9];
	[sflag:s24] =	ssyncadd.s32 $0xFFFFC000  }
0x171: {  	[hbm4b:s30+s2] =	stream.linear.scatter [tilespmem:s23], [sflag:$0xB], $0x4000, $0x38;
	[tilespmem:$0x18080] =	vst v63  }
0x172: {  	_ =	swait.ge [sflag:s10], $0x4000  }
0x173: {  	[sflag:s10] =	ssyncset.done $0x0  }
0x174: {  	s31 =	sadd.s32 s0, s15;
	[sflag:s10] =	ssyncadd.s32 $0xFFFFC000  }
0x175: {  	[tilespmem:s19], [sflag:$0x1] =	stream.linear.gather [hbm4b:s31+s2], $0x4000, $0x38;
	[tilespmem:$0x18080] =	vst v63  }
0x176: {  	_ =	swait.ge [sflag:s22], $0x4000  }
0x177: {  	[sflag:s22] =	ssyncset.done $0x0  }
0x178: {  	s30 =	rddreg [dreg:$0xa];
	[sflag:s22] =	ssyncadd.s32 $0xFFFFC000  }
0x179: {  	[hbm4b:s30+s2] =	stream.linear.scatter [tilespmem:s21], [sflag:$0xC], $0x4000, $0x38;
	[tilespmem:$0x18080] =	vst v63  }
0x17a: {  	_ =	swait.ge [sflag:s11], $0x4000  }
0x17b: {  	[sflag:s11] =	ssyncset.done $0x0  }
0x17c: {  	s0 =	sadd.s32 s0, s5;
	[sflag:s11] =	ssyncadd.s32 $0xFFFFC000  }
0x17d: {  	[tilespmem:s16], [sflag:$0x2] =	stream.linear.gather [hbm4b:s0+s2], $0x4000, $0x38;
	[tilespmem:$0x18080] =	vst v63  }
0x17e: {  	_ =	swait.ge [sflag:s20], $0x4000  }
0x17f: {  	[sflag:s20] =	ssyncset.done $0x0  }
0x180: {  	s31 =	rddreg [dreg:$0xb];
	[sflag:s20] =	ssyncadd.s32 $0xFFFFC000  }
0x181: {  	[hbm4b:s31+s2] =	stream.linear.scatter [tilespmem:s19], [sflag:$0x7], $0x4000, $0x38;
	[tilespmem:$0x18080] =	vst v63  }
0x182: {  	s26 =	sshll.u32 s26, $0xD;
	_ =	swait.ge [sflag:s6], $0x4000  }
0x183: {  	s0 =	sand.u32 $0x1FFFE000, s26;
	[sflag:s6] =	ssyncset.done $0x0  }
0x184: {  	s28 =	sadd.s32 s4, s0;
	[sflag:s6] =	ssyncadd.s32 $0xFFFFC000  }
0x185: {  	[tilespmem:s9], [sflag:$0x3] =	stream.linear.gather [hbm4b:s28+s2], $0x4000, $0x38;
	[tilespmem:$0x18080] =	vst v63  }
0x186: {  	_ =	swait.ge [sflag:s18], $0x4000  }
0x187: {  	[sflag:s18] =	ssyncset.done $0x0  }
0x188: {  	s30 =	rddreg [dreg:$0xc];
	[sflag:s18] =	ssyncadd.s32 $0xFFFFC000  }
0x189: {  	[hbm4b:s30+s2] =	stream.linear.scatter [tilespmem:s16], [sflag:$0x8], $0x4000, $0x38;
	[tilespmem:$0x18080] =	vst v63  }
0x18a: {  	_ =	swait.ge [sflag:s8], $0x4000  }
0x18b: {  	[sflag:s8] =	ssyncset.done $0x0  }
0x18c: {  	s31 =	sadd.s32 s0, s17;
	[sflag:s8] =	ssyncadd.s32 $0xFFFFC000  }
0x18d: {  	[tilespmem:s3], [sflag:$0x4] =	stream.linear.gather [hbm4b:s31+s2], $0x4000, $0x38;
	[tilespmem:$0x18080] =	vst v63  }
0x18e: {  	_ =	swait.ge [sflag:s14], $0x4000  }
0x18f: {  	[sflag:s14] =	ssyncset.done $0x0  }
0x190: {  	s28 =	rddreg [dreg:$0xd];
	[sflag:s14] =	ssyncadd.s32 $0xFFFFC000  }
0x191: {  	[hbm4b:s28+s2] =	stream.linear.scatter [tilespmem:s9], [sflag:$0x9], $0x4000, $0x38;
	[tilespmem:$0x18080] =	vst v63  }
0x192: {  	_ =	swait.ge [sflag:s7], $0x4000  }
0x193: {  	[sflag:s7] =	ssyncset.done $0x0  }
0x194: {  	s30 =	sadd.s32 s0, s15;
	[sflag:s7] =	ssyncadd.s32 $0xFFFFC000  }
0x195: {  	[tilespmem:s23], [sflag:$0x5] =	stream.linear.gather [hbm4b:s30+s2], $0x4000, $0x38;
	[tilespmem:$0x18080] =	vst v63  }
0x196: {  	_ =	swait.ge [sflag:s12], $0x4000  }
0x197: {  	[sflag:s12] =	ssyncset.done $0x0  }
0x198: {  	s31 =	rddreg [dreg:$0xe];
	[sflag:s12] =	ssyncadd.s32 $0xFFFFC000  }
0x199: {  	[hbm4b:s31+s2] =	stream.linear.scatter [tilespmem:s3], [sflag:$0xA], $0x4000, $0x38;
	[tilespmem:$0x18080] =	vst v63  }
0x19a: {  	_ =	swait.ge [sflag:s13], $0x4000  }
0x19b: {  	[sflag:s13] =	ssyncset.done $0x0  }
0x19c: {  	s0 =	sadd.s32 s0, s5;
	[sflag:s13] =	ssyncadd.s32 $0xFFFFC000  }
0x19d: {  	[tilespmem:s21], [sflag:$0x6] =	stream.linear.gather [hbm4b:s0+s2], $0x4000, $0x38;
	[tilespmem:$0x18080] =	vst v63  }
0x19e: {  	_ =	swait.ge [sflag:s24], $0x4000  }
0x19f: {  	[sflag:s24] =	ssyncset.done $0x0  }
0x1a0: {  	s28 =	rddreg [dreg:$0xf];
	[sflag:s24] =	ssyncadd.s32 $0xFFFFC000  }
0x1a1: {  	[hbm4b:s28+s2] =	stream.linear.scatter [tilespmem:s23], [sflag:$0xB], $0x4000, $0x38;
	[tilespmem:$0x18080] =	vst v63  }
0x1a2: {  	s30 =	sshll.u32 s25, $0xD;
	_ =	swait.ge [sflag:s10], $0x4000  }
0x1a3: {  	s0 =	sand.u32 $0x1FFFE000, s30;
	[sflag:s10] =	ssyncset.done $0x0  }
0x1a4: {  	s31 =	sadd.s32 s4, s0;
	[sflag:s10] =	ssyncadd.s32 $0xFFFFC000  }
0x1a5: {  	[tilespmem:s19], [sflag:$0x1] =	stream.linear.gather [hbm4b:s31+s2], $0x4000, $0x38;
	[tilespmem:$0x18080] =	vst v63  }
0x1a6: {  	_ =	swait.ge [sflag:s22], $0x4000  }
0x1a7: {  	[sflag:s22] =	ssyncset.done $0x0  }
0x1a8: {  	s23 =	rddreg [dreg:$0x10];
	[sflag:s22] =	ssyncadd.s32 $0xFFFFC000  }
0x1a9: {  	[hbm4b:s23+s2] =	stream.linear.scatter [tilespmem:s21], [sflag:$0xC], $0x4000, $0x38;
	[tilespmem:$0x18080] =	vst v63  }
0x1aa: {  	_ =	swait.ge [sflag:s11], $0x4000  }
0x1ab: {  	[sflag:s11] =	ssyncset.done $0x0  }
0x1ac: {  	s24 =	sadd.s32 s0, s17;
	[sflag:s11] =	ssyncadd.s32 $0xFFFFC000  }
0x1ad: {  	[tilespmem:s16], [sflag:$0x2] =	stream.linear.gather [hbm4b:s24+s2], $0x4000, $0x38;
	[tilespmem:$0x18080] =	vst v63  }
0x1ae: {  	_ =	swait.ge [sflag:s20], $0x4000  }
0x1af: {  	[sflag:s20] =	ssyncset.done $0x0  }
0x1b0: {  	s25 =	rddreg [dreg:$0x11];
	[sflag:s20] =	ssyncadd.s32 $0xFFFFC000  }
0x1b1: {  	[hbm4b:s25+s2] =	stream.linear.scatter [tilespmem:s19], [sflag:$0x7], $0x4000, $0x38;
	[tilespmem:$0x18080] =	vst v63  }
0x1b2: {  	_ =	swait.ge [sflag:s6], $0x4000  }
0x1b3: {  	[sflag:s6] =	ssyncset.done $0x0  }
0x1b4: {  	s26 =	sadd.s32 s0, s15;
	[sflag:s6] =	ssyncadd.s32 $0xFFFFC000  }
0x1b5: {  	[tilespmem:s9], [sflag:$0x3] =	stream.linear.gather [hbm4b:s26+s2], $0x4000, $0x38;
	[tilespmem:$0x18080] =	vst v63  }
0x1b6: {  	_ =	swait.ge [sflag:s18], $0x4000  }
0x1b7: {  	[sflag:s18] =	ssyncset.done $0x0  }
0x1b8: {  	s28 =	rddreg [dreg:$0x12];
	[sflag:s18] =	ssyncadd.s32 $0xFFFFC000  }
0x1b9: {  	[hbm4b:s28+s2] =	stream.linear.scatter [tilespmem:s16], [sflag:$0x8], $0x4000, $0x38;
	[tilespmem:$0x18080] =	vst v63  }
0x1ba: {  	_ =	swait.ge [sflag:s8], $0x4000  }
0x1bb: {  	[sflag:s8] =	ssyncset.done $0x0  }
0x1bc: {  	s0 =	sadd.s32 s0, s5;
	[sflag:s8] =	ssyncadd.s32 $0xFFFFC000  }
0x1bd: {  	[tilespmem:s3], [sflag:$0x4] =	stream.linear.gather [hbm4b:s0+s2], $0x4000, $0x38;
	[tilespmem:$0x18080] =	vst v63  }
0x1be: {  	_ =	swait.ge [sflag:s14], $0x4000  }
0x1bf: {  	[sflag:s14] =	ssyncset.done $0x0  }
0x1c0: {  	s30 =	rddreg [dreg:$0x13];
	[sflag:s14] =	ssyncadd.s32 $0xFFFFC000  }
0x1c1: {  	[hbm4b:s30+s2] =	stream.linear.scatter [tilespmem:s9], [sflag:$0x9], $0x4000, $0x38;
	[tilespmem:$0x18080] =	vst v63  }
0x1c2: {  	_ =	swait.ge [sflag:s12], $0x4000  }
0x1c3: {  	[sflag:s12] =	ssyncset.done $0x0  }
0x1c4: {  	s31 =	rddreg [dreg:$0x14];
	[sflag:s12] =	ssyncadd.s32 $0xFFFFC000  }
0x1c5: {  	[hbm4b:s31+s2] =	stream.linear.scatter [tilespmem:s3], [sflag:$0xA], $0x4000, $0x38;
	[tilespmem:$0x18080] =	vst v63  }
0x1c6: {  	_ =	swait.ge [sflag:s10], $0x4000  }
0x1c7: {  	[sflag:s10] =	ssyncset.done $0x0  }
0x1c8: {  	[sflag:s10] =	ssyncadd.s32 $0xFFFFC000  }
0x1c9: {  	_ =	swait.ge [sflag:s11], $0x4000  }
0x1ca: {  	[sflag:s11] =	ssyncset.done $0x0  }
0x1cb: {  	[sflag:s11] =	ssyncadd.s32 $0xFFFFC000  }
0x1cc: {  	_ =	swait.ge [sflag:s6], $0x4000  }
0x1cd: {  	[sflag:s6] =	ssyncset.done $0x0  }
0x1ce: {  	[sflag:s6] =	ssyncadd.s32 $0xFFFFC000  }
0x1cf: {  	_ =	swait.ge [sflag:s8], $0x4000  }
0x1d0: {  	[sflag:s8] =	ssyncset.done $0x0  }
0x1d1: {  	[sflag:s8] =	ssyncadd.s32 $0xFFFFC000  }
0x1d2: {  	_ =	swait.ge [sflag:s7], $0x4000  }
0x1d3: {  	[sflag:s7] =	ssyncset.done $0x0  }
0x1d4: {  	[sflag:s7] =	ssyncadd.s32 $0xFFFFC000  }
0x1d5: {  	_ =	swait.ge [sflag:s13], $0x4000  }
0x1d6: {  	[sflag:s13] =	ssyncset.done $0x0  }
0x1d7: {  	[sflag:s13] =	ssyncadd.s32 $0xFFFFC000  }
0x1d8: {  	_ =	sfence.sel $0x180000  }
0x1d9: {  	[bflag:$0x0] =	sbarrier.arrive $0xFFFF  }
0x1da: {  	p0 =	sne.s32 s1, $0x0;
	_ =	strace $0x90000047  }
0x1db: {  	s0 =	sadd.s32 @!p0 $0x100000, s29;
	[bflag:$0x2] =	sbarrier.arrive $0xFFFF  }
0x1dc: {  	[sflag:s0] =	ssyncadd.tile.s32 @!p0 $0x1;
	_ =	shalt  }
.LBB2_2:
.Ltmp3:
0x1dd: {  	(pc) =	sbr.rel .LBB2_5-.Ltmp3, $2  }
0x1de: {  	_ =	sdelay $0x2  }
0x1df: {  	s29 =	rddreg [dreg:$0x3]  }
.Lfunc_end2:
_tile_overlayer_lowered:
.L_overlay_start_2:
0x1e0: {  	(tag) =	ssettag $0x2  }
0x1e1: {  	s0 =	rddreg [dreg:$0x0];
	s2 =	stileid.u32  }
0x1e2: {  	s1 =	rddreg [dreg:$0x1];
	p0 =	sne.s32 s2, $0x0  }
0x1e3: {  	s3 =	rddreg [dreg:$0x2];
	[bflag:$0x3] =	sbarrier.arrive $0xFFFF;
	s2 =	simm.s32 @!p0 $0x1C0D  }
0x1e4: {  	[timem:s3], [sflag:s2] =	dma.local @!p0 [hbm:s0], s1  }
0x1e5: {  	s0 =	simm.s32 @!p0 $0xD  }
0x1e6: {  	_ =	swait.ge @!p0 [sflag:s0], s1  }
0x1e7: {  	s1 =	ssub.s32 @!p0 $0x0, s1;
	[sflag:s0] =	ssyncset.done @!p0 $0x0  }
0x1e8: {  	[sflag:s0] =	ssyncadd.s32 @!p0 s1  }
0x1e9: {  	[bflag:$0x3] =	sbarrier.arrive $0xFFFF  }
0x1ea: {  	_ =	shalt  }

</sc_bundles>
